<compile_context>
chip_gen: v7x
topology: tpu7x:2x2x1
jax: 0.10.2.dev20260603
libtpu: 0.0.44.dev20260713+nightly
codegen_flags: <defaults>
</compile_context>

<pallas_src>
import functools
import jax
import jax.numpy as jnp
from jax import lax
from jax.experimental import pallas as pl
from jax.experimental.pallas import tpu as pltpu
from jax.experimental.pallas import tpu_sc as plsc

NC = 2
NS = 16
L = 16
NW = NC * NS


def _copy_body(mem_ref, out_ref):
    out_ref[...] = mem_ref[...]


def kernel(memory, node_idxs, values):
    N, D = memory.shape
    B = node_idxs.shape[0]
    SPAN = N // NW
    NPAIRS = B // (2 * L)
    WSLOTS = ((SPAN + L - 1) // L) * L
    NWG = WSLOTS // L
    C = 128
    COMP_SZ = WSLOTS + C + L

    mesh = plsc.VectorSubcoreMesh(
        core_axis_name="c", subcore_axis_name="s",
        num_cores=NC, num_subcores=NS)
    sc_params = pltpu.CompilerParams(
        use_tc_tiling_on_sc=False, needs_layout_passes=False)

    @functools.partial(
        pl.kernel,
        out_type=(jax.ShapeDtypeStruct((NW, COMP_SZ), jnp.int32),
                  jax.ShapeDtypeStruct((NW, L), jnp.int32)),
        mesh=mesh,
        compiler_params=sc_params,
        scratch_types=[
            pltpu.VMEM((B,), jnp.int32),
            pltpu.VMEM((WSLOTS,), jnp.int32),
            pltpu.VMEM((COMP_SZ,), jnp.int32),
            pltpu.VMEM((L,), jnp.int32),
            pltpu.SemaphoreType.DMA,
        ],
    )
    def sc_dedup(idx_hbm, comp_hbm, meta_hbm,
                 idx_v, winner, comp, meta_v, xsem):
        wid = lax.axis_index("s") * NC + lax.axis_index("c")
        base_n = wid * SPAN

        xdesc = pltpu.async_copy(idx_hbm, idx_v, xsem)

        iota = lax.iota(jnp.int32, L)
        nxt_perm = jnp.minimum(iota + 1, L - 1)
        neg1 = jnp.full((L,), -1, jnp.int32)

        def init_body(k, carry):
            winner[pl.ds(k * L, L)] = neg1
            return carry
        lax.fori_loop(0, NWG, init_body, 0)

        xdesc.wait()

        def dedup_group(nodes, pos_base):
            pval = lax.shift_left(nodes, 14) | (pos_base + iota)
            spval = lax.sort(pval)
            snode = lax.shift_right_logical(spval, 14)
            nxt = snode.at[nxt_perm].get(mode="promise_in_bounds")
            sd = snode - base_n
            m = ((snode != nxt) | (iota == L - 1)) \
                & (plsc.bitcast(sd, jnp.uint32) < jnp.uint32(SPAN))
            slot = jnp.where(m, sd, 0)
            plsc.store_scatter(winner, [slot], spval, mask=m)

        def scan_body(gg, carry):
            nodes0 = idx_v[pl.ds(gg * 2 * L, L)]
            nodes1 = idx_v[pl.ds(gg * 2 * L + L, L)]
            inr0 = plsc.bitcast(nodes0 - base_n, jnp.uint32) < jnp.uint32(SPAN)
            inr1 = plsc.bitcast(nodes1 - base_n, jnp.uint32) < jnp.uint32(SPAN)

            @pl.when(jnp.any(inr0 | inr1))
            def _():
                @pl.when(jnp.any(inr0))
                def _():
                    dedup_group(nodes0, gg * 2 * L)
                @pl.when(jnp.any(inr1))
                def _():
                    dedup_group(nodes1, gg * 2 * L + L)
            return carry
        lax.fori_loop(0, NPAIRS, scan_body, 0)

        def comp_body(k, carry):
            off, lastv = carry
            w = winner[pl.ds(k * L, L)]
            m = w >= 0
            incl = plsc.cumsum(m.astype(jnp.int32))
            cnt = jnp.max(incl)
            tgt = jnp.where(m, off + incl - 1, 0)
            plsc.store_scatter(comp, [tgt], w, mask=m)
            lastv = jnp.maximum(lastv, jnp.max(jnp.where(m, w, -1)))
            return off + cnt, lastv
        n_sel, lastv = lax.fori_loop(
            0, NWG, comp_body, (jnp.int32(0), jnp.int32(-1)))

        lastv_v = jnp.broadcast_to(lastv, (L,))
        def pad_body(t, carry):
            plsc.store_scatter(comp, [n_sel + t * L + iota], lastv_v)
            return carry
        lax.fori_loop(0, C // L, pad_body, 0)

        meta_v[pl.ds(0, L)] = jnp.broadcast_to(n_sel, (L,))
        pltpu.sync_copy(comp, comp_hbm.at[wid])
        pltpu.sync_copy(meta_v, meta_hbm.at[wid])

    CB = 4000
    tc_out = pl.pallas_call(
        _copy_body,
        out_shape=jax.ShapeDtypeStruct((N, D), jnp.float32),
        grid=(N // CB,),
        in_specs=[pl.BlockSpec((CB, D), lambda i: (i, 0))],
        out_specs=pl.BlockSpec((CB, D), lambda i: (i, 0)),
    )(memory)

    @functools.partial(
        pl.kernel,
        mesh=mesh,
        compiler_params=sc_params,
        scratch_types=[
            pltpu.VMEM((COMP_SZ,), jnp.int32),
            pltpu.VMEM((L,), jnp.int32),
            pltpu.VMEM((2, C), jnp.int32),
            pltpu.VMEM((2, C), jnp.int32),
            pltpu.VMEM((2, C, 128), jnp.float32),
            pltpu.SemaphoreType.DMA,
            pltpu.SemaphoreType.DMA,
            pltpu.SemaphoreType.DMA,
        ],
    )
    def sc_scatter(comp_hbm, meta_hbm, val_hbm, out_hbm,
                   comp, meta_v, idxrow, posrow, vbuf, xsem, gsem, ssem):
        wid = lax.axis_index("s") * NC + lax.axis_index("c")
        cdesc = pltpu.async_copy(comp_hbm.at[wid], comp, xsem)
        pltpu.sync_copy(meta_hbm.at[wid], meta_v)
        n_sel = jnp.max(meta_v[pl.ds(0, L)])
        n_chunks = (n_sel + C - 1) // C
        cdesc.wait()

        def build_rows(j):
            s = j % 2
            def b_body(t, carry):
                p = comp[pl.ds(j * C + t * L, L)]
                idxrow[s, pl.ds(t * L, L)] = lax.shift_right_logical(p, 14)
                posrow[s, pl.ds(t * L, L)] = lax.bitwise_and(p, 16383)
                return carry
            lax.fori_loop(0, C // L, b_body, 0)

        @pl.when(n_chunks > 0)
        def _():
            build_rows(jnp.int32(0))
            pltpu.async_copy(val_hbm.at[posrow.at[0]], vbuf.at[0], gsem)

        def chunk_body(j, carry):
            s = j % 2
            pltpu.make_async_copy(
                val_hbm.at[posrow.at[s]], vbuf.at[s], gsem).wait()
            pltpu.async_copy(vbuf.at[s], out_hbm.at[idxrow.at[s]], ssem)
            @pl.when(j + 1 < n_chunks)
            def _():
                build_rows(j + 1)
                @pl.when(j >= 1)
                def _():
                    pltpu.make_async_copy(
                        vbuf.at[1 - s], out_hbm.at[idxrow.at[1 - s]],
                        ssem).wait()
                pltpu.async_copy(
                    val_hbm.at[posrow.at[1 - s]], vbuf.at[1 - s], gsem)
            return carry
        lax.fori_loop(0, n_chunks, chunk_body, 0)

        @pl.when(n_chunks >= 2)
        def _():
            pltpu.make_async_copy(
                vbuf.at[0], out_hbm.at[idxrow.at[0]], ssem).wait()
        @pl.when(n_chunks >= 1)
        def _():
            pltpu.make_async_copy(
                vbuf.at[0], out_hbm.at[idxrow.at[0]], ssem).wait()

    comp_all, meta_all = sc_dedup(node_idxs)
    out_ref = jax.new_ref(tc_out)
    sc_scatter(comp_all, meta_all, values, out_ref)
    return jax.freeze(out_ref)

# --- scband reference (transcript-rebuilt; emitter-appended) ---
"""Pipeline reference for scband-memory-34230889349756 (READ-ONLY COPY).

The authoritative reference and input builder live on the scoring server;
editing this copy changes nothing except your own understanding.
"""

import jax, jax.numpy as jnp
import numpy as np

N_NODES = 100000
MEM_DIM = 128
BATCH = 16384


def setup_inputs(seed: int = 0) -> dict:
    key = jax.random.key(seed)
    k1, k2, k3 = jax.random.split(key, 3)
    memory = jax.random.normal(k1, (N_NODES, MEM_DIM), dtype=jnp.float32)
    node_idxs = jax.random.randint(k2, (BATCH,), 0, N_NODES, dtype=jnp.int64) if jax.config.read('jax_enable_x64') else jax.random.randint(k2, (BATCH,), 0, N_NODES, dtype=jnp.int32)
    values = jax.random.normal(k3, (BATCH, MEM_DIM), dtype=jnp.float32)
    return {"memory": memory, "node_idxs": node_idxs, "values": values}


def reference(memory, node_idxs, values):
    # Faithful translation of Memory.set_memory followed by the state it leaves:
    #   self.memory[node_idxs, :] = values   (scatter-overwrite into the memory table)
    updated_memory = memory.at[node_idxs].set(values)
    return updated_memory

if __name__ == "__main__":
    import jax
    _d = setup_inputs()
    print(jax.jit(kernel)(*tuple(_d.values())))

</pallas_src>

<mosaic_0001>
#map = affine_map<(d0, d1) -> (0)>
#map1 = affine_map<(d0, d1) -> (0, 0)>
module attributes {stable_mosaic.version = 14 : i64} {
  func.func @sc_dedup(%arg0: i32, %arg1: i32, %arg2: memref<16384xi32, #tpu.memory_space<hbm>>, %arg3: memref<32x3280xi32, #tpu.memory_space<hbm>>, %arg4: memref<32x16xi32, #tpu.memory_space<hbm>>, %arg5: memref<16384xi32, #tpu.memory_space<vmem>>, %arg6: memref<3136xi32, #tpu.memory_space<vmem>>, %arg7: memref<3280xi32, #tpu.memory_space<vmem>>, %arg8: memref<16xi32, #tpu.memory_space<vmem>>, %arg9: memref<!tpu.dma_semaphore, #tpu.memory_space<semaphore_mem>>) attributes {dimension_semantics = [#tpu.dimension_semantics<core_parallel>, #tpu.dimension_semantics<subcore_parallel>], iteration_bounds = array<i64: 2, 16>, scalar_prefetch = 0 : i64, scratch_operands = 5 : i64, tpu.core_type = #tpu.core_type<sc_vector_subcore>, window_params = [{transform_indices = #map}, {transform_indices = #map1}, {transform_indices = #map1}]} {
    %mul3A = arith.constant 2 : i32
    %mul3A_0 = arith.muli %arg1, %mul3A : i32
    %add3A = arith.addi %mul3A_0, %arg0 : i32
    %mul3A_1 = arith.constant 3125 : i32
    %mul3A_2 = arith.muli %add3A, %mul3A_1 : i32
    tpu.enqueue_dma source(%arg2 : memref<16384xi32, #tpu.memory_space<hbm>>) target(%arg5 : memref<16384xi32, #tpu.memory_space<vmem>>) target_semaphore(%arg9 : memref<!tpu.dma_semaphore, #tpu.memory_space<semaphore_mem>>)
    %iota3A = tpu.iota {dimensions = array<i32: 0>} : vector<16xi32>
    %add3A_3 = arith.constant 1 : i32
    %add3A_4 = vector.broadcast %add3A_3 : i32 to vector<16xi32>
    %add3A_5 = arith.addi %iota3A, %add3A_4 : vector<16xi32>
    %min3A = arith.constant 15 : i32
    %min3A_6 = vector.broadcast %min3A : i32 to vector<16xi32>
    %min3A_7 = arith.minsi %add3A_5, %min3A_6 : vector<16xi32>
    %broadcast_in_dim3A = arith.constant -1 : i32
    %broadcast_in_dim3A_8 = vector.broadcast %broadcast_in_dim3A : i32 to vector<16xi32>
    %scan3A = arith.constant 0 : i32
    %scan3A_9 = arith.constant 0 : i32
    %scan3A_10 = arith.constant 196 : i32
    %scan3A_11 = arith.addi %scan3A_9, %scan3A_10 : i32
    %scan3A_12 = arith.constant 1 : i32
    scf.for %scan3A_37 = %scan3A_9 to %scan3A_11 step %scan3A_12  : i32 {
      %mul3A_38 = arith.constant 16 : i32
      %mul3A_39 = arith.muli %scan3A_37, %mul3A_38 : i32
      %swap3A_40 = arith.index_cast %mul3A_39 : i32 to index
      %swap3A_41 = tpu.vector_load %arg6[%swap3A_40] {strides = array<i32>} : memref<3136xi32, #tpu.memory_space<vmem>>, vector<16xi32>,
      tpu.vector_store %arg6[%swap3A_40], %broadcast_in_dim3A_8 {strides = array<i32>} : memref<3136xi32, #tpu.memory_space<vmem>>, vector<16xi32>,
    }
    %scan3A_13 = arith.constant 196 : i32
    tpu.wait_dma2 semaphore(%arg9 : memref<!tpu.dma_semaphore, #tpu.memory_space<semaphore_mem>>) src(%arg2 : memref<16384xi32, #tpu.memory_space<hbm>>) dst(%arg5 : memref<16384xi32, #tpu.memory_space<vmem>>)
    %scan3A_14 = arith.constant 0 : i32
    %scan3A_15 = arith.constant 0 : i32
    %scan3A_16 = arith.constant 512 : i32
    %scan3A_17 = arith.addi %scan3A_15, %scan3A_16 : i32
    %scan3A_18 = arith.constant 1 : i32
    scf.for %scan3A_37 = %scan3A_15 to %scan3A_17 step %scan3A_18  : i32 {
      %mul3A_38 = arith.constant 2 : i32
      %mul3A_39 = arith.muli %scan3A_37, %mul3A_38 : i32
      %mul3A_40 = arith.constant 16 : i32
      %mul3A_41 = arith.muli %mul3A_39, %mul3A_40 : i32
      %get3A = arith.index_cast %mul3A_41 : i32 to index
      %get3A_42 = tpu.vector_load %arg5[%get3A] {strides = array<i32>} : memref<16384xi32, #tpu.memory_space<vmem>>, vector<16xi32>,
      %mul3A_43 = arith.constant 2 : i32
      %mul3A_44 = arith.muli %scan3A_37, %mul3A_43 : i32
      %mul3A_45 = arith.constant 16 : i32
      %mul3A_46 = arith.muli %mul3A_44, %mul3A_45 : i32
      %add3A_47 = arith.constant 16 : i32
      %add3A_48 = arith.addi %mul3A_46, %add3A_47 : i32
      %get3A_49 = arith.index_cast %add3A_48 : i32 to index
      %get3A_50 = tpu.vector_load %arg5[%get3A_49] {strides = array<i32>} : memref<16384xi32, #tpu.memory_space<vmem>>, vector<16xi32>,
      %sub3A = vector.broadcast %mul3A_2 : i32 to vector<16xi32>
      %sub3A_51 = arith.subi %get3A_42, %sub3A : vector<16xi32>
      %bitcast3A = vector.bitcast %sub3A_51 : vector<16xi32> to vector<16xi32>
      %lt3A = arith.constant 3125 : i32
      %lt3A_52 = vector.broadcast %lt3A : i32 to vector<16xi32>
      %lt3A_53 = arith.cmpi ult, %bitcast3A, %lt3A_52 : vector<16xi32>
      %sub3A_54 = vector.broadcast %mul3A_2 : i32 to vector<16xi32>
      %sub3A_55 = arith.subi %get3A_50, %sub3A_54 : vector<16xi32>
      %bitcast3A_56 = vector.bitcast %sub3A_55 : vector<16xi32> to vector<16xi32>
      %lt3A_57 = arith.constant 3125 : i32
      %lt3A_58 = vector.broadcast %lt3A_57 : i32 to vector<16xi32>
      %lt3A_59 = arith.cmpi ult, %bitcast3A_56, %lt3A_58 : vector<16xi32>
      %or3A = arith.ori %lt3A_53, %lt3A_59 : vector<16xi1>
      %reduce_or3A = arith.constant 1.000000e+00 : f32
      %reduce_or3A_60 = arith.constant 0.000000e+00 : f32
      %reduce_or3A_61 = vector.broadcast %reduce_or3A : f32 to vector<16xf32>
      %reduce_or3A_62 = vector.broadcast %reduce_or3A_60 : f32 to vector<16xf32>
      %reduce_or3A_63 = arith.select %or3A, %reduce_or3A_61, %reduce_or3A_62 : vector<16xi1>, vector<16xf32>
      %reduce_or3A_64 = arith.constant true
      %reduce_or3A_65 = vector.broadcast %reduce_or3A_64 : i1 to vector<16xi1>
      %reduce_or3A_66 = tpu.scan <max>, %reduce_or3A_63 masked %reduce_or3A_65 : vector<16xf32>, vector<16xi1> -> vector<16xf32>
      %reduce_or3A_67 = vector.extract %reduce_or3A_66[15] : f32 from vector<16xf32>
      %reduce_or3A_68 = arith.constant 0.000000e+00 : f32
      %reduce_or3A_69 = arith.cmpf ogt, %reduce_or3A_67, %reduce_or3A_68 : f32
      %convert_element_type3A = arith.extui %reduce_or3A_69 : i1 to i32
      %cond3A = arith.constant 0 : i32
      %cond3A_70 = arith.cmpi ne, %convert_element_type3A, %cond3A : i32
      scf.if %cond3A_70 {
        %reduce_or3A_71 = arith.constant 1.000000e+00 : f32
        %reduce_or3A_72 = arith.constant 0.000000e+00 : f32
        %reduce_or3A_73 = vector.broadcast %reduce_or3A_71 : f32 to vector<16xf32>
        %reduce_or3A_74 = vector.broadcast %reduce_or3A_72 : f32 to vector<16xf32>
        %reduce_or3A_75 = arith.select %lt3A_53, %reduce_or3A_73, %reduce_or3A_74 : vector<16xi1>, vector<16xf32>
        %reduce_or3A_76 = arith.constant true
        %reduce_or3A_77 = vector.broadcast %reduce_or3A_76 : i1 to vector<16xi1>
        %reduce_or3A_78 = tpu.scan <max>, %reduce_or3A_75 masked %reduce_or3A_77 : vector<16xf32>, vector<16xi1> -> vector<16xf32>
        %reduce_or3A_79 = vector.extract %reduce_or3A_78[15] : f32 from vector<16xf32>
        %reduce_or3A_80 = arith.constant 0.000000e+00 : f32
        %reduce_or3A_81 = arith.cmpf ogt, %reduce_or3A_79, %reduce_or3A_80 : f32
        %convert_element_type3A_82 = arith.extui %reduce_or3A_81 : i1 to i32
        %cond3A_83 = arith.constant 0 : i32
        %cond3A_84 = arith.cmpi ne, %convert_element_type3A_82, %cond3A_83 : i32
        scf.if %cond3A_84 {
          %mul3A_99 = arith.constant 2 : i32
          %mul3A_100 = arith.muli %scan3A_37, %mul3A_99 : i32
          %mul3A_101 = arith.constant 16 : i32
          %mul3A_102 = arith.muli %mul3A_100, %mul3A_101 : i32
          %shift_left3A = arith.constant 14 : i32
          %shift_left3A_103 = vector.broadcast %shift_left3A : i32 to vector<16xi32>
          %shift_left3A_104 = arith.shli %get3A_42, %shift_left3A_103 : vector<16xi32>
          %add3A_105 = vector.broadcast %mul3A_102 : i32 to vector<16xi32>
          %add3A_106 = arith.addi %add3A_105, %iota3A : vector<16xi32>
          %or3A_107 = arith.ori %shift_left3A_104, %add3A_106 : vector<16xi32>
          %sort3A = arith.constant dense<true> : vector<16xi1>
          %sort3A_108, %sort3A_109, %sort3A_110 = tpu.sort %or3A_107, %or3A_107 masked %sort3A : (vector<16xi32>, vector<16xi32>, vector<16xi1>) -> (vector<16xi1>, vector<16xi32>, vector<16xi32>)
          %shift_right_logical3A = arith.constant 14 : i32
          %shift_right_logical3A_111 = vector.broadcast %shift_right_logical3A : i32 to vector<16xi32>
          %shift_right_logical3A_112 = arith.shrui %sort3A_109, %shift_right_logical3A_111 : vector<16xi32>
          %lt3A_113 = arith.constant 0 : i32
          %lt3A_114 = vector.broadcast %lt3A_113 : i32 to vector<16xi32>
          %lt3A_115 = arith.cmpi slt, %min3A_7, %lt3A_114 : vector<16xi32>
          %add3A_116 = arith.constant 16 : i32
          %add3A_117 = vector.broadcast %add3A_116 : i32 to vector<16xi32>
          %add3A_118 = arith.addi %min3A_7, %add3A_117 : vector<16xi32>
          %select_n3A = arith.select %lt3A_115, %add3A_118, %min3A_7 : vector<16xi1>, vector<16xi32>
          %broadcast_in_dim3A_119 = vector.shape_cast %select_n3A : vector<16xi32> to vector<16x1xi32>
          %gather3A = vector.shape_cast %broadcast_in_dim3A_119 : vector<16x1xi32> to vector<16xi32>
          %gather3A_120 = tpu.dynamic_gather %shift_right_logical3A_112[%gather3A] in [0] : vector<16xi32>, vector<16xi32> -> vector<16xi32>
          %sub3A_121 = vector.broadcast %mul3A_2 : i32 to vector<16xi32>
          %sub3A_122 = arith.subi %shift_right_logical3A_112, %sub3A_121 : vector<16xi32>
          %ne3A = arith.cmpi ne, %shift_right_logical3A_112, %gather3A_120 : vector<16xi32>
          %eq3A = arith.constant 15 : i32
          %eq3A_123 = vector.broadcast %eq3A : i32 to vector<16xi32>
          %eq3A_124 = arith.cmpi eq, %iota3A, %eq3A_123 : vector<16xi32>
          %or3A_125 = arith.ori %ne3A, %eq3A_124 : vector<16xi1>
          %bitcast3A_126 = vector.bitcast %sub3A_122 : vector<16xi32> to vector<16xi32>
          %lt3A_127 = arith.constant 3125 : i32
          %lt3A_128 = vector.broadcast %lt3A_127 : i32 to vector<16xi32>
          %lt3A_129 = arith.cmpi ult, %bitcast3A_126, %lt3A_128 : vector<16xi32>
          %and3A = arith.andi %or3A_125, %lt3A_129 : vector<16xi1>
          %jit3A = arith.constant 0 : i32
          %broadcast_in_dim3A_130 = vector.broadcast %jit3A : i32 to vector<16xi32>
          %select_n3A_131 = arith.select %and3A, %sub3A_122, %broadcast_in_dim3A_130 : vector<16xi1>, vector<16xi32>
          tpu.vector_store_idx %arg6[%select_n3A_131], %sort3A_109 masked %and3A : memref<3136xi32, #tpu.memory_space<vmem>>[vector<16xi32>], vector<16xi32>, vector<16xi1>
        } else {
        }
        %reduce_or3A_85 = arith.constant 1.000000e+00 : f32
        %reduce_or3A_86 = arith.constant 0.000000e+00 : f32
        %reduce_or3A_87 = vector.broadcast %reduce_or3A_85 : f32 to vector<16xf32>
        %reduce_or3A_88 = vector.broadcast %reduce_or3A_86 : f32 to vector<16xf32>
        %reduce_or3A_89 = arith.select %lt3A_59, %reduce_or3A_87, %reduce_or3A_88 : vector<16xi1>, vector<16xf32>
        %reduce_or3A_90 = arith.constant true
        %reduce_or3A_91 = vector.broadcast %reduce_or3A_90 : i1 to vector<16xi1>
        %reduce_or3A_92 = tpu.scan <max>, %reduce_or3A_89 masked %reduce_or3A_91 : vector<16xf32>, vector<16xi1> -> vector<16xf32>
        %reduce_or3A_93 = vector.extract %reduce_or3A_92[15] : f32 from vector<16xf32>
        %reduce_or3A_94 = arith.constant 0.000000e+00 : f32
        %reduce_or3A_95 = arith.cmpf ogt, %reduce_or3A_93, %reduce_or3A_94 : f32
        %convert_element_type3A_96 = arith.extui %reduce_or3A_95 : i1 to i32
        %cond3A_97 = arith.constant 0 : i32
        %cond3A_98 = arith.cmpi ne, %convert_element_type3A_96, %cond3A_97 : i32
        scf.if %cond3A_98 {
          %mul3A_99 = arith.constant 2 : i32
          %mul3A_100 = arith.muli %scan3A_37, %mul3A_99 : i32
          %mul3A_101 = arith.constant 16 : i32
          %mul3A_102 = arith.muli %mul3A_100, %mul3A_101 : i32
          %add3A_103 = arith.constant 16 : i32
          %add3A_104 = arith.addi %mul3A_102, %add3A_103 : i32
          %shift_left3A = arith.constant 14 : i32
          %shift_left3A_105 = vector.broadcast %shift_left3A : i32 to vector<16xi32>
          %shift_left3A_106 = arith.shli %get3A_50, %shift_left3A_105 : vector<16xi32>
          %add3A_107 = vector.broadcast %add3A_104 : i32 to vector<16xi32>
          %add3A_108 = arith.addi %add3A_107, %iota3A : vector<16xi32>
          %or3A_109 = arith.ori %shift_left3A_106, %add3A_108 : vector<16xi32>
          %sort3A = arith.constant dense<true> : vector<16xi1>
          %sort3A_110, %sort3A_111, %sort3A_112 = tpu.sort %or3A_109, %or3A_109 masked %sort3A : (vector<16xi32>, vector<16xi32>, vector<16xi1>) -> (vector<16xi1>, vector<16xi32>, vector<16xi32>)
          %shift_right_logical3A = arith.constant 14 : i32
          %shift_right_logical3A_113 = vector.broadcast %shift_right_logical3A : i32 to vector<16xi32>
          %shift_right_logical3A_114 = arith.shrui %sort3A_111, %shift_right_logical3A_113 : vector<16xi32>
          %lt3A_115 = arith.constant 0 : i32
          %lt3A_116 = vector.broadcast %lt3A_115 : i32 to vector<16xi32>
          %lt3A_117 = arith.cmpi slt, %min3A_7, %lt3A_116 : vector<16xi32>
          %add3A_118 = arith.constant 16 : i32
          %add3A_119 = vector.broadcast %add3A_118 : i32 to vector<16xi32>
          %add3A_120 = arith.addi %min3A_7, %add3A_119 : vector<16xi32>
          %select_n3A = arith.select %lt3A_117, %add3A_120, %min3A_7 : vector<16xi1>, vector<16xi32>
          %broadcast_in_dim3A_121 = vector.shape_cast %select_n3A : vector<16xi32> to vector<16x1xi32>
          %gather3A = vector.shape_cast %broadcast_in_dim3A_121 : vector<16x1xi32> to vector<16xi32>
          %gather3A_122 = tpu.dynamic_gather %shift_right_logical3A_114[%gather3A] in [0] : vector<16xi32>, vector<16xi32> -> vector<16xi32>
          %sub3A_123 = vector.broadcast %mul3A_2 : i32 to vector<16xi32>
          %sub3A_124 = arith.subi %shift_right_logical3A_114, %sub3A_123 : vector<16xi32>
          %ne3A = arith.cmpi ne, %shift_right_logical3A_114, %gather3A_122 : vector<16xi32>
          %eq3A = arith.constant 15 : i32
          %eq3A_125 = vector.broadcast %eq3A : i32 to vector<16xi32>
          %eq3A_126 = arith.cmpi eq, %iota3A, %eq3A_125 : vector<16xi32>
          %or3A_127 = arith.ori %ne3A, %eq3A_126 : vector<16xi1>
          %bitcast3A_128 = vector.bitcast %sub3A_124 : vector<16xi32> to vector<16xi32>
          %lt3A_129 = arith.constant 3125 : i32
          %lt3A_130 = vector.broadcast %lt3A_129 : i32 to vector<16xi32>
          %lt3A_131 = arith.cmpi ult, %bitcast3A_128, %lt3A_130 : vector<16xi32>
          %and3A = arith.andi %or3A_127, %lt3A_131 : vector<16xi1>
          %jit3A = arith.constant 0 : i32
          %broadcast_in_dim3A_132 = vector.broadcast %jit3A : i32 to vector<16xi32>
          %select_n3A_133 = arith.select %and3A, %sub3A_124, %broadcast_in_dim3A_132 : vector<16xi1>, vector<16xi32>
          tpu.vector_store_idx %arg6[%select_n3A_133], %sort3A_111 masked %and3A : memref<3136xi32, #tpu.memory_space<vmem>>[vector<16xi32>], vector<16xi32>, vector<16xi1>
        } else {
        }
      } else {
      }
    }
    %scan3A_19 = arith.constant 512 : i32
    %scan3A_20 = arith.constant 0 : i32
    %scan3A_21 = arith.constant -1 : i32
    %scan3A_22 = arith.constant 0 : i32
    %scan3A_23 = arith.constant 196 : i32
    %scan3A_24 = arith.addi %scan3A_22, %scan3A_23 : i32
    %scan3A_25 = arith.constant 1 : i32
    %scan3A_26:2 = scf.for %scan3A_37 = %scan3A_22 to %scan3A_24 step %scan3A_25 iter_args(%scan3A_38 = %scan3A_20, %scan3A_39 = %scan3A_21) -> (i32, i32)  : i32 {
      %mul3A_40 = arith.constant 16 : i32
      %mul3A_41 = arith.muli %scan3A_37, %mul3A_40 : i32
      %get3A = arith.index_cast %mul3A_41 : i32 to index
      %get3A_42 = tpu.vector_load %arg6[%get3A] {strides = array<i32>} : memref<3136xi32, #tpu.memory_space<vmem>>, vector<16xi32>,
      %ge3A = arith.constant 0 : i32
      %ge3A_43 = vector.broadcast %ge3A : i32 to vector<16xi32>
      %ge3A_44 = arith.cmpi sge, %get3A_42, %ge3A_43 : vector<16xi32>
      %convert_element_type3A = arith.extui %ge3A_44 : vector<16xi1> to vector<16xi32>
      %broadcast_in_dim3A_45 = arith.constant true
      %broadcast_in_dim3A_46 = vector.broadcast %broadcast_in_dim3A_45 : i1 to vector<16xi1>
      %masked_cumsum3A = tpu.scan <sum>, %convert_element_type3A masked %broadcast_in_dim3A_46 : vector<16xi32>, vector<16xi1> -> vector<16xi32>
      %reduce_max3A = arith.constant true
      %reduce_max3A_47 = vector.broadcast %reduce_max3A : i1 to vector<16xi1>
      %reduce_max3A_48 = arith.constant -2147483648 : i32
      %reduce_max3A_49 = vector.broadcast %reduce_max3A_48 : i32 to vector<16xi32>
      %reduce_max3A_50 = arith.xori %masked_cumsum3A, %reduce_max3A_49 : vector<16xi32>
      %reduce_max3A_51 = tpu.scan <max>, %reduce_max3A_50 masked %reduce_max3A_47 : vector<16xi32>, vector<16xi1> -> vector<16xi32>
      %reduce_max3A_52 = arith.xori %reduce_max3A_51, %reduce_max3A_49 : vector<16xi32>
      %reduce_max3A_53 = vector.extract %reduce_max3A_52[15] : i32 from vector<16xi32>
      %add3A_54 = vector.broadcast %scan3A_38 : i32 to vector<16xi32>
      %add3A_55 = arith.addi %add3A_54, %masked_cumsum3A : vector<16xi32>
      %sub3A = arith.constant 1 : i32
      %sub3A_56 = vector.broadcast %sub3A : i32 to vector<16xi32>
      %sub3A_57 = arith.subi %add3A_55, %sub3A_56 : vector<16xi32>
      %jit3A = arith.constant 0 : i32
      %broadcast_in_dim3A_58 = vector.broadcast %jit3A : i32 to vector<16xi32>
      %select_n3A = arith.select %ge3A_44, %sub3A_57, %broadcast_in_dim3A_58 : vector<16xi1>, vector<16xi32>
      tpu.vector_store_idx %arg7[%select_n3A], %get3A_42 masked %ge3A_44 : memref<3280xi32, #tpu.memory_space<vmem>>[vector<16xi32>], vector<16xi32>, vector<16xi1>
      %jit3A_59 = arith.constant -1 : i32
      %broadcast_in_dim3A_60 = vector.broadcast %jit3A_59 : i32 to vector<16xi32>
      %select_n3A_61 = arith.select %ge3A_44, %get3A_42, %broadcast_in_dim3A_60 : vector<16xi1>, vector<16xi32>
      %reduce_max3A_62 = arith.constant true
      %reduce_max3A_63 = vector.broadcast %reduce_max3A_62 : i1 to vector<16xi1>
      %reduce_max3A_64 = arith.constant -2147483648 : i32
      %reduce_max3A_65 = vector.broadcast %reduce_max3A_64 : i32 to vector<16xi32>
      %reduce_max3A_66 = arith.xori %select_n3A_61, %reduce_max3A_65 : vector<16xi32>
      %reduce_max3A_67 = tpu.scan <max>, %reduce_max3A_66 masked %reduce_max3A_63 : vector<16xi32>, vector<16xi1> -> vector<16xi32>
      %reduce_max3A_68 = arith.xori %reduce_max3A_67, %reduce_max3A_65 : vector<16xi32>
      %reduce_max3A_69 = vector.extract %reduce_max3A_68[15] : i32 from vector<16xi32>
      %max3A = arith.maxsi %scan3A_39, %reduce_max3A_69 : i32
      %add3A_70 = arith.addi %scan3A_38, %reduce_max3A_53 : i32
      scf.yield %add3A_70, %max3A : i32, i32
    }
    %scan3A_27 = arith.constant 196 : i32
    %broadcast_in_dim3A_28 = vector.broadcast %scan3A_26#1 : i32 to vector<16xi32>
    %scan3A_29 = arith.constant 0 : i32
    %scan3A_30 = arith.constant 0 : i32
    %scan3A_31 = arith.constant 8 : i32
    %scan3A_32 = arith.addi %scan3A_30, %scan3A_31 : i32
    %scan3A_33 = arith.constant 1 : i32
    scf.for %scan3A_37 = %scan3A_30 to %scan3A_32 step %scan3A_33  : i32 {
      %mul3A_38 = arith.constant 16 : i32
      %mul3A_39 = arith.muli %scan3A_37, %mul3A_38 : i32
      %add3A_40 = arith.addi %scan3A_26#0, %mul3A_39 : i32
      %add3A_41 = vector.broadcast %add3A_40 : i32 to vector<16xi32>
      %add3A_42 = arith.addi %add3A_41, %iota3A : vector<16xi32>
      tpu.vector_store_idx %arg7[%add3A_42], %broadcast_in_dim3A_28 : memref<3280xi32, #tpu.memory_space<vmem>>[vector<16xi32>], vector<16xi32>,
    }
    %scan3A_34 = arith.constant 8 : i32
    %broadcast_in_dim3A_35 = vector.broadcast %scan3A_26#0 : i32 to vector<16xi32>
    %swap3A = arith.constant 0 : index
    %swap3A_36 = tpu.vector_load %arg8[%swap3A] {strides = array<i32>} : memref<16xi32, #tpu.memory_space<vmem>>, vector<16xi32>,
    tpu.vector_store %arg8[%swap3A], %broadcast_in_dim3A_35 {strides = array<i32>} : memref<16xi32, #tpu.memory_space<vmem>>, vector<16xi32>,
    "tpu.region"() ({
      %run_scoped3A = tpu.sem_alloc : memref<!tpu.dma_semaphore, #tpu.memory_space<semaphore_mem>>
      %dma_start3A = arith.constant 0 : i32
      %dma_start3A_37 = tpu.memref_slice %arg3[%add3A, %dma_start3A] : memref<32x3280xi32, #tpu.memory_space<hbm>> -> memref<1x3280xi32, #tpu.memory_space<hbm>>
      %dma_start3A_38 = tpu.memref_squeeze %dma_start3A_37 : memref<1x3280xi32, #tpu.memory_space<hbm>> -> memref<3280xi32, #tpu.memory_space<hbm>>
      %dma_start3A_39 = arith.constant 0 : i32
      %dma_start3A_40 = tpu.memref_slice %arg3[%add3A, %dma_start3A_39] : memref<32x3280xi32, #tpu.memory_space<hbm>> -> memref<1x3280xi32, #tpu.memory_space<hbm>>
      %dma_start3A_41 = tpu.memref_squeeze %dma_start3A_40 : memref<1x3280xi32, #tpu.memory_space<hbm>> -> memref<3280xi32, #tpu.memory_space<hbm>>
      tpu.enqueue_dma source(%arg7 : memref<3280xi32, #tpu.memory_space<vmem>>) target(%dma_start3A_41 : memref<3280xi32, #tpu.memory_space<hbm>>) target_semaphore(%run_scoped3A : memref<!tpu.dma_semaphore, #tpu.memory_space<semaphore_mem>>)
      %dma_wait3A = arith.constant 0 : i32
      %dma_wait3A_42 = tpu.memref_slice %arg3[%add3A, %dma_wait3A] : memref<32x3280xi32, #tpu.memory_space<hbm>> -> memref<1x3280xi32, #tpu.memory_space<hbm>>
      %dma_wait3A_43 = tpu.memref_squeeze %dma_wait3A_42 : memref<1x3280xi32, #tpu.memory_space<hbm>> -> memref<3280xi32, #tpu.memory_space<hbm>>
      %dma_wait3A_44 = arith.constant 0 : i32
      %dma_wait3A_45 = tpu.memref_slice %arg3[%add3A, %dma_wait3A_44] : memref<32x3280xi32, #tpu.memory_space<hbm>> -> memref<1x3280xi32, #tpu.memory_space<hbm>>
      %dma_wait3A_46 = tpu.memref_squeeze %dma_wait3A_45 : memref<1x3280xi32, #tpu.memory_space<hbm>> -> memref<3280xi32, #tpu.memory_space<hbm>>
      tpu.wait_dma2 semaphore(%run_scoped3A : memref<!tpu.dma_semaphore, #tpu.memory_space<semaphore_mem>>) src(%arg7 : memref<3280xi32, #tpu.memory_space<vmem>>) dst(%dma_wait3A_46 : memref<3280xi32, #tpu.memory_space<hbm>>)
      tpu.yield
    }) : () -> ()
    "tpu.region"() ({
      %run_scoped3A = tpu.sem_alloc : memref<!tpu.dma_semaphore, #tpu.memory_space<semaphore_mem>>
      %dma_start3A = arith.constant 0 : i32
      %dma_start3A_37 = tpu.memref_slice %arg4[%add3A, %dma_start3A] : memref<32x16xi32, #tpu.memory_space<hbm>> -> memref<1x16xi32, #tpu.memory_space<hbm>>
      %dma_start3A_38 = tpu.memref_squeeze %dma_start3A_37 : memref<1x16xi32, #tpu.memory_space<hbm>> -> memref<16xi32, #tpu.memory_space<hbm>>
      %dma_start3A_39 = arith.constant 0 : i32
      %dma_start3A_40 = tpu.memref_slice %arg4[%add3A, %dma_start3A_39] : memref<32x16xi32, #tpu.memory_space<hbm>> -> memref<1x16xi32, #tpu.memory_space<hbm>>
      %dma_start3A_41 = tpu.memref_squeeze %dma_start3A_40 : memref<1x16xi32, #tpu.memory_space<hbm>> -> memref<16xi32, #tpu.memory_space<hbm>>
      tpu.enqueue_dma source(%arg8 : memref<16xi32, #tpu.memory_space<vmem>>) target(%dma_start3A_41 : memref<16xi32, #tpu.memory_space<hbm>>) target_semaphore(%run_scoped3A : memref<!tpu.dma_semaphore, #tpu.memory_space<semaphore_mem>>)
      %dma_wait3A = arith.constant 0 : i32
      %dma_wait3A_42 = tpu.memref_slice %arg4[%add3A, %dma_wait3A] : memref<32x16xi32, #tpu.memory_space<hbm>> -> memref<1x16xi32, #tpu.memory_space<hbm>>
      %dma_wait3A_43 = tpu.memref_squeeze %dma_wait3A_42 : memref<1x16xi32, #tpu.memory_space<hbm>> -> memref<16xi32, #tpu.memory_space<hbm>>
      %dma_wait3A_44 = arith.constant 0 : i32
      %dma_wait3A_45 = tpu.memref_slice %arg4[%add3A, %dma_wait3A_44] : memref<32x16xi32, #tpu.memory_space<hbm>> -> memref<1x16xi32, #tpu.memory_space<hbm>>
      %dma_wait3A_46 = tpu.memref_squeeze %dma_wait3A_45 : memref<1x16xi32, #tpu.memory_space<hbm>> -> memref<16xi32, #tpu.memory_space<hbm>>
      tpu.wait_dma2 semaphore(%run_scoped3A : memref<!tpu.dma_semaphore, #tpu.memory_space<semaphore_mem>>) src(%arg8 : memref<16xi32, #tpu.memory_space<vmem>>) dst(%dma_wait3A_46 : memref<16xi32, #tpu.memory_space<hbm>>)
      tpu.yield
    }) : () -> ()
    return
  }
}

#map = affine_map<(d0, d1) -> (0, 0)>
module attributes {stable_mosaic.version = 14 : i64} {
  func.func @new_body(%arg0: i32, %arg1: i32, %arg2: memref<32x3280xi32, #tpu.memory_space<hbm>>, %arg3: memref<32x16xi32, #tpu.memory_space<hbm>>, %arg4: memref<16384x128xf32, #tpu.memory_space<hbm>>, %arg5: memref<100000x128xf32, #tpu.memory_space<hbm>>, %arg6: memref<100000x128xf32, #tpu.memory_space<hbm>>, %arg7: memref<3280xi32, #tpu.memory_space<vmem>>, %arg8: memref<16xi32, #tpu.memory_space<vmem>>, %arg9: memref<2x128xi32, #tpu.memory_space<vmem>>, %arg10: memref<2x128xi32, #tpu.memory_space<vmem>>, %arg11: memref<2x128x128xf32, #tpu.memory_space<vmem>>, %arg12: memref<!tpu.dma_semaphore, #tpu.memory_space<semaphore_mem>>, %arg13: memref<!tpu.dma_semaphore, #tpu.memory_space<semaphore_mem>>, %arg14: memref<!tpu.dma_semaphore, #tpu.memory_space<semaphore_mem>>) attributes {dimension_semantics = [#tpu.dimension_semantics<core_parallel>, #tpu.dimension_semantics<subcore_parallel>], iteration_bounds = array<i64: 2, 16>, scalar_prefetch = 0 : i64, scratch_operands = 8 : i64, tpu.core_type = #tpu.core_type<sc_vector_subcore>, window_params = [{transform_indices = #map}, {transform_indices = #map}, {transform_indices = #map}, {transform_indices = #map}, {transform_indices = #map}]} {
    %mul3A = arith.constant 2 : i32
    %mul3A_0 = arith.muli %arg1, %mul3A : i32
    %add3A = arith.addi %mul3A_0, %arg0 : i32
    %dma_start3A = arith.constant 0 : i32
    %dma_start3A_1 = tpu.memref_slice %arg2[%add3A, %dma_start3A] : memref<32x3280xi32, #tpu.memory_space<hbm>> -> memref<1x3280xi32, #tpu.memory_space<hbm>>
    %dma_start3A_2 = tpu.memref_squeeze %dma_start3A_1 : memref<1x3280xi32, #tpu.memory_space<hbm>> -> memref<3280xi32, #tpu.memory_space<hbm>>
    %dma_start3A_3 = arith.constant 0 : i32
    %dma_start3A_4 = tpu.memref_slice %arg2[%add3A, %dma_start3A_3] : memref<32x3280xi32, #tpu.memory_space<hbm>> -> memref<1x3280xi32, #tpu.memory_space<hbm>>
    %dma_start3A_5 = tpu.memref_squeeze %dma_start3A_4 : memref<1x3280xi32, #tpu.memory_space<hbm>> -> memref<3280xi32, #tpu.memory_space<hbm>>
    tpu.enqueue_dma source(%dma_start3A_5 : memref<3280xi32, #tpu.memory_space<hbm>>) target(%arg7 : memref<3280xi32, #tpu.memory_space<vmem>>) target_semaphore(%arg12 : memref<!tpu.dma_semaphore, #tpu.memory_space<semaphore_mem>>)
    "tpu.region"() ({
      %run_scoped3A = tpu.sem_alloc : memref<!tpu.dma_semaphore, #tpu.memory_space<semaphore_mem>>
      %dma_start3A_59 = arith.constant 0 : i32
      %dma_start3A_60 = tpu.memref_slice %arg3[%add3A, %dma_start3A_59] : memref<32x16xi32, #tpu.memory_space<hbm>> -> memref<1x16xi32, #tpu.memory_space<hbm>>
      %dma_start3A_61 = tpu.memref_squeeze %dma_start3A_60 : memref<1x16xi32, #tpu.memory_space<hbm>> -> memref<16xi32, #tpu.memory_space<hbm>>
      %dma_start3A_62 = arith.constant 0 : i32
      %dma_start3A_63 = tpu.memref_slice %arg3[%add3A, %dma_start3A_62] : memref<32x16xi32, #tpu.memory_space<hbm>> -> memref<1x16xi32, #tpu.memory_space<hbm>>
      %dma_start3A_64 = tpu.memref_squeeze %dma_start3A_63 : memref<1x16xi32, #tpu.memory_space<hbm>> -> memref<16xi32, #tpu.memory_space<hbm>>
      tpu.enqueue_dma source(%dma_start3A_64 : memref<16xi32, #tpu.memory_space<hbm>>) target(%arg8 : memref<16xi32, #tpu.memory_space<vmem>>) target_semaphore(%run_scoped3A : memref<!tpu.dma_semaphore, #tpu.memory_space<semaphore_mem>>)
      %dma_wait3A_65 = arith.constant 0 : i32
      %dma_wait3A_66 = tpu.memref_slice %arg3[%add3A, %dma_wait3A_65] : memref<32x16xi32, #tpu.memory_space<hbm>> -> memref<1x16xi32, #tpu.memory_space<hbm>>
      %dma_wait3A_67 = tpu.memref_squeeze %dma_wait3A_66 : memref<1x16xi32, #tpu.memory_space<hbm>> -> memref<16xi32, #tpu.memory_space<hbm>>
      %dma_wait3A_68 = arith.constant 0 : i32
      %dma_wait3A_69 = tpu.memref_slice %arg3[%add3A, %dma_wait3A_68] : memref<32x16xi32, #tpu.memory_space<hbm>> -> memref<1x16xi32, #tpu.memory_space<hbm>>
      %dma_wait3A_70 = tpu.memref_squeeze %dma_wait3A_69 : memref<1x16xi32, #tpu.memory_space<hbm>> -> memref<16xi32, #tpu.memory_space<hbm>>
      tpu.wait_dma2 semaphore(%run_scoped3A : memref<!tpu.dma_semaphore, #tpu.memory_space<semaphore_mem>>) src(%dma_wait3A_70 : memref<16xi32, #tpu.memory_space<hbm>>) dst(%arg8 : memref<16xi32, #tpu.memory_space<vmem>>)
      tpu.yield
    }) : () -> ()
    %get3A = arith.constant 0 : index
    %get3A_6 = tpu.vector_load %arg8[%get3A] {strides = array<i32>} : memref<16xi32, #tpu.memory_space<vmem>>, vector<16xi32>,
    %reduce_max3A = arith.constant true
    %reduce_max3A_7 = vector.broadcast %reduce_max3A : i1 to vector<16xi1>
    %reduce_max3A_8 = arith.constant -2147483648 : i32
    %reduce_max3A_9 = vector.broadcast %reduce_max3A_8 : i32 to vector<16xi32>
    %reduce_max3A_10 = arith.xori %get3A_6, %reduce_max3A_9 : vector<16xi32>
    %reduce_max3A_11 = tpu.scan <max>, %reduce_max3A_10 masked %reduce_max3A_7 : vector<16xi32>, vector<16xi1> -> vector<16xi32>
    %reduce_max3A_12 = arith.xori %reduce_max3A_11, %reduce_max3A_9 : vector<16xi32>
    %reduce_max3A_13 = vector.extract %reduce_max3A_12[15] : i32 from vector<16xi32>
    %add3A_14 = arith.constant 128 : i32
    %add3A_15 = arith.addi %reduce_max3A_13, %add3A_14 : i32
    %sub3A = arith.constant 1 : i32
    %sub3A_16 = arith.subi %add3A_15, %sub3A : i32
    %jit3A = arith.constant 128 : i32
    %div3A = arith.divsi %sub3A_16, %jit3A : i32
    %sign3A = arith.constant 0 : i32
    %sign3A_17 = arith.cmpi sgt, %sub3A_16, %sign3A : i32
    %sign3A_18 = arith.extui %sign3A_17 : i1 to i32
    %sign3A_19 = arith.constant 0 : i32
    %sign3A_20 = arith.cmpi slt, %sub3A_16, %sign3A_19 : i32
    %sign3A_21 = arith.extui %sign3A_20 : i1 to i32
    %sign3A_22 = arith.subi %sign3A_18, %sign3A_21 : i32
    %sign3A_23 = arith.constant 0 : i32
    %sign3A_24 = arith.cmpi sgt, %jit3A, %sign3A_23 : i32
    %sign3A_25 = arith.extui %sign3A_24 : i1 to i32
    %sign3A_26 = arith.constant 0 : i32
    %sign3A_27 = arith.cmpi slt, %jit3A, %sign3A_26 : i32
    %sign3A_28 = arith.extui %sign3A_27 : i1 to i32
    %sign3A_29 = arith.subi %sign3A_25, %sign3A_28 : i32
    %ne3A = arith.cmpi ne, %sign3A_22, %sign3A_29 : i32
    %rem3A = arith.remsi %sub3A_16, %jit3A : i32
    %ne3A_30 = arith.constant 0 : i32
    %ne3A_31 = arith.cmpi ne, %rem3A, %ne3A_30 : i32
    %and3A = arith.andi %ne3A, %ne3A_31 : i1
    %sub3A_32 = arith.constant 1 : i32
    %sub3A_33 = arith.subi %div3A, %sub3A_32 : i32
    %select_n3A = arith.select %and3A, %sub3A_33, %div3A : i32
    %dma_wait3A = arith.constant 0 : i32
    %dma_wait3A_34 = tpu.memref_slice %arg2[%add3A, %dma_wait3A] : memref<32x3280xi32, #tpu.memory_space<hbm>> -> memref<1x3280xi32, #tpu.memory_space<hbm>>
    %dma_wait3A_35 = tpu.memref_squeeze %dma_wait3A_34 : memref<1x3280xi32, #tpu.memory_space<hbm>> -> memref<3280xi32, #tpu.memory_space<hbm>>
    %dma_wait3A_36 = arith.constant 0 : i32
    %dma_wait3A_37 = tpu.memref_slice %arg2[%add3A, %dma_wait3A_36] : memref<32x3280xi32, #tpu.memory_space<hbm>> -> memref<1x3280xi32, #tpu.memory_space<hbm>>
    %dma_wait3A_38 = tpu.memref_squeeze %dma_wait3A_37 : memref<1x3280xi32, #tpu.memory_space<hbm>> -> memref<3280xi32, #tpu.memory_space<hbm>>
    tpu.wait_dma2 semaphore(%arg12 : memref<!tpu.dma_semaphore, #tpu.memory_space<semaphore_mem>>) src(%dma_wait3A_38 : memref<3280xi32, #tpu.memory_space<hbm>>) dst(%arg7 : memref<3280xi32, #tpu.memory_space<vmem>>)
    %gt3A = arith.constant 0 : i32
    %gt3A_39 = arith.cmpi sgt, %select_n3A, %gt3A : i32
    %convert_element_type3A = arith.extui %gt3A_39 : i1 to i32
    %cond3A = arith.constant 0 : i32
    %cond3A_40 = arith.cmpi ne, %convert_element_type3A, %cond3A : i32
    scf.if %cond3A_40 {
      %jit3A_59 = arith.constant 0 : i32
      %jit3A_60 = arith.constant 2 : i32
      %eq3A = arith.constant 0 : i32
      %eq3A_61 = arith.cmpi eq, %jit3A_60, %eq3A : i32
      %jit3A_62 = arith.constant 1 : i32
      %select_n3A_63 = arith.select %eq3A_61, %jit3A_62, %jit3A_60 : i32
      %rem3A_64 = arith.remsi %jit3A_59, %select_n3A_63 : i32
      %ne3A_65 = arith.constant 0 : i32
      %ne3A_66 = arith.cmpi ne, %rem3A_64, %ne3A_65 : i32
      %lt3A = arith.constant 0 : i32
      %lt3A_67 = arith.cmpi slt, %rem3A_64, %lt3A : i32
      %lt3A_68 = arith.constant 0 : i32
      %lt3A_69 = arith.cmpi slt, %select_n3A_63, %lt3A_68 : i32
      %ne3A_70 = arith.xori %lt3A_67, %lt3A_69 : i1
      %and3A_71 = arith.andi %ne3A_70, %ne3A_66 : i1
      %add3A_72 = arith.addi %rem3A_64, %select_n3A_63 : i32
      %select_n3A_73 = arith.select %and3A_71, %add3A_72, %rem3A_64 : i32
      %scan3A = arith.constant 0 : i32
      %scan3A_74 = arith.constant 0 : i32
      %scan3A_75 = arith.constant 0 : i32
      %scan3A_76 = arith.constant 8 : i32
      %scan3A_77 = arith.addi %scan3A_75, %scan3A_76 : i32
      %scan3A_78 = arith.constant 1 : i32
      scf.for %scan3A_92 = %scan3A_75 to %scan3A_77 step %scan3A_78  : i32 {
        %mul3A_93 = arith.constant 128 : i32
        %mul3A_94 = arith.muli %scan3A_74, %mul3A_93 : i32
        %mul3A_95 = arith.constant 16 : i32
        %mul3A_96 = arith.muli %scan3A_92, %mul3A_95 : i32
        %add3A_97 = arith.addi %mul3A_94, %mul3A_96 : i32
        %get3A_98 = arith.index_cast %add3A_97 : i32 to index
        %get3A_99 = tpu.vector_load %arg7[%get3A_98] {strides = array<i32>} : memref<3280xi32, #tpu.memory_space<vmem>>, vector<16xi32>,
        %shift_right_logical3A = arith.constant 14 : i32
        %shift_right_logical3A_100 = vector.broadcast %shift_right_logical3A : i32 to vector<16xi32>
        %shift_right_logical3A_101 = arith.shrui %get3A_99, %shift_right_logical3A_100 : vector<16xi32>
        %mul3A_102 = arith.constant 16 : i32
        %mul3A_103 = arith.muli %scan3A_92, %mul3A_102 : i32
        %swap3A = arith.index_cast %select_n3A_73 : i32 to index
        %swap3A_104 = arith.index_cast %mul3A_103 : i32 to index
        %swap3A_105 = tpu.vector_load %arg9[%swap3A, %swap3A_104] {strides = array<i32>} : memref<2x128xi32, #tpu.memory_space<vmem>>, vector<16xi32>,
        tpu.vector_store %arg9[%swap3A, %swap3A_104], %shift_right_logical3A_101 {strides = array<i32>} : memref<2x128xi32, #tpu.memory_space<vmem>>, vector<16xi32>,
        %and3A_106 = arith.constant 16383 : i32
        %and3A_107 = vector.broadcast %and3A_106 : i32 to vector<16xi32>
        %and3A_108 = arith.andi %get3A_99, %and3A_107 : vector<16xi32>
        %mul3A_109 = arith.constant 16 : i32
        %mul3A_110 = arith.muli %scan3A_92, %mul3A_109 : i32
        %swap3A_111 = arith.index_cast %select_n3A_73 : i32 to index
        %swap3A_112 = arith.index_cast %mul3A_110 : i32 to index
        %swap3A_113 = tpu.vector_load %arg10[%swap3A_111, %swap3A_112] {strides = array<i32>} : memref<2x128xi32, #tpu.memory_space<vmem>>, vector<16xi32>,
        tpu.vector_store %arg10[%swap3A_111, %swap3A_112], %and3A_108 {strides = array<i32>} : memref<2x128xi32, #tpu.memory_space<vmem>>, vector<16xi32>,
      }
      %scan3A_79 = arith.constant 8 : i32
      %dma_start3A_80 = arith.constant 0 : i32
      %dma_start3A_81 = arith.constant 0 : i32
      %dma_start3A_82 = arith.constant 0 : i32
      %dma_start3A_83 = arith.constant 0 : i32
      %dma_start3A_84 = tpu.memref_slice %arg11[%dma_start3A_81, %dma_start3A_82, %dma_start3A_83] : memref<2x128x128xf32, #tpu.memory_space<vmem>> -> memref<1x128x128xf32, #tpu.memory_space<vmem>>
      %dma_start3A_85 = tpu.memref_squeeze %dma_start3A_84 : memref<1x128x128xf32, #tpu.memory_space<vmem>> -> memref<128x128xf32, #tpu.memory_space<vmem>>
      %dma_start3A_86 = arith.constant 0 : i32
      %dma_start3A_87 = tpu.memref_slice %arg10[%dma_start3A_80, %dma_start3A_86] : memref<2x128xi32, #tpu.memory_space<vmem>> -> memref<1x128xi32, #tpu.memory_space<vmem>>
      %dma_start3A_88 = tpu.memref_squeeze %dma_start3A_87 : memref<1x128xi32, #tpu.memory_space<vmem>> -> memref<128xi32, #tpu.memory_space<vmem>>
      %dma_start3A_89 = arith.constant 0 : i32
      %dma_start3A_90 = arith.constant 0 : i32
      %dma_start3A_91 = tpu.memref_slice %arg4[%dma_start3A_89, %dma_start3A_90] : memref<16384x128xf32, #tpu.memory_space<hbm>> -> memref<16384x128xf32, #tpu.memory_space<hbm>>
      tpu.enqueue_indirect_dma source(%dma_start3A_91 : memref<16384x128xf32, #tpu.memory_space<hbm>>) target(%dma_start3A_85 : memref<128x128xf32, #tpu.memory_space<vmem>>) offsets(%dma_start3A_88 : memref<128xi32, #tpu.memory_space<vmem>>) semaphore(%arg13 : memref<!tpu.dma_semaphore, #tpu.memory_space<semaphore_mem>>)
    } else {
    }
    %while3A = arith.constant 0 : i32
    %while3A_41 = arith.constant 0 : i32
    %while3A_42 = arith.subi %select_n3A, %while3A_41 : i32
    %while3A_43 = arith.addi %while3A_41, %while3A_42 : i32
    %while3A_44 = arith.constant 1 : i32
    %while3A_45 = arith.divsi %while3A_42, %while3A_44 : i32
    %while3A_46 = arith.muli %while3A_45, %while3A_44 : i32
    %while3A_47 = arith.addi %while3A_41, %while3A_46 : i32
    %while3A_48 = arith.constant 1 : i32
    scf.for %while3A_59 = %while3A_41 to %while3A_47 step %while3A_48  : i32 {
      %jit3A_60 = arith.constant 2 : i32
      %eq3A = arith.constant 0 : i32
      %eq3A_61 = arith.cmpi eq, %jit3A_60, %eq3A : i32
      %jit3A_62 = arith.constant 1 : i32
      %select_n3A_63 = arith.select %eq3A_61, %jit3A_62, %jit3A_60 : i32
      %rem3A_64 = arith.remsi %while3A_59, %select_n3A_63 : i32
      %ne3A_65 = arith.constant 0 : i32
      %ne3A_66 = arith.cmpi ne, %rem3A_64, %ne3A_65 : i32
      %lt3A = arith.constant 0 : i32
      %lt3A_67 = arith.cmpi slt, %rem3A_64, %lt3A : i32
      %lt3A_68 = arith.constant 0 : i32
      %lt3A_69 = arith.cmpi slt, %select_n3A_63, %lt3A_68 : i32
      %ne3A_70 = arith.xori %lt3A_67, %lt3A_69 : i1
      %and3A_71 = arith.andi %ne3A_70, %ne3A_66 : i1
      %add3A_72 = arith.addi %rem3A_64, %select_n3A_63 : i32
      %select_n3A_73 = arith.select %and3A_71, %add3A_72, %rem3A_64 : i32
      %dma_wait3A_74 = arith.constant 0 : i32
      %dma_wait3A_75 = arith.constant 0 : i32
      %dma_wait3A_76 = tpu.memref_slice %arg11[%select_n3A_73, %dma_wait3A_74, %dma_wait3A_75] : memref<2x128x128xf32, #tpu.memory_space<vmem>> -> memref<1x128x128xf32, #tpu.memory_space<vmem>>
      %dma_wait3A_77 = tpu.memref_squeeze %dma_wait3A_76 : memref<1x128x128xf32, #tpu.memory_space<vmem>> -> memref<128x128xf32, #tpu.memory_space<vmem>>
      %dma_wait3A_78 = arith.constant 0 : i32
      %dma_wait3A_79 = tpu.memref_slice %arg10[%select_n3A_73, %dma_wait3A_78] : memref<2x128xi32, #tpu.memory_space<vmem>> -> memref<1x128xi32, #tpu.memory_space<vmem>>
      %dma_wait3A_80 = tpu.memref_squeeze %dma_wait3A_79 : memref<1x128xi32, #tpu.memory_space<vmem>> -> memref<128xi32, #tpu.memory_space<vmem>>
      %dma_wait3A_81 = arith.constant 0 : i32
      %dma_wait3A_82 = arith.constant 0 : i32
      %dma_wait3A_83 = tpu.memref_slice %arg4[%dma_wait3A_81, %dma_wait3A_82] : memref<16384x128xf32, #tpu.memory_space<hbm>> -> memref<16384x128xf32, #tpu.memory_space<hbm>>
      tpu.wait_indirect_dma semaphore(%arg13 : memref<!tpu.dma_semaphore, #tpu.memory_space<semaphore_mem>>) src(%dma_wait3A_83 : memref<16384x128xf32, #tpu.memory_space<hbm>>) dst(%dma_wait3A_77 : memref<128x128xf32, #tpu.memory_space<vmem>>)
      %dma_start3A_84 = arith.constant 0 : i32
      %dma_start3A_85 = arith.constant 0 : i32
      %dma_start3A_86 = tpu.memref_slice %arg11[%select_n3A_73, %dma_start3A_84, %dma_start3A_85] : memref<2x128x128xf32, #tpu.memory_space<vmem>> -> memref<1x128x128xf32, #tpu.memory_space<vmem>>
      %dma_start3A_87 = tpu.memref_squeeze %dma_start3A_86 : memref<1x128x128xf32, #tpu.memory_space<vmem>> -> memref<128x128xf32, #tpu.memory_space<vmem>>
      %dma_start3A_88 = arith.constant 0 : i32
      %dma_start3A_89 = tpu.memref_slice %arg9[%select_n3A_73, %dma_start3A_88] : memref<2x128xi32, #tpu.memory_space<vmem>> -> memref<1x128xi32, #tpu.memory_space<vmem>>
      %dma_start3A_90 = tpu.memref_squeeze %dma_start3A_89 : memref<1x128xi32, #tpu.memory_space<vmem>> -> memref<128xi32, #tpu.memory_space<vmem>>
      %dma_start3A_91 = arith.constant 0 : i32
      %dma_start3A_92 = arith.constant 0 : i32
      %dma_start3A_93 = tpu.memref_slice %arg5[%dma_start3A_91, %dma_start3A_92] : memref<100000x128xf32, #tpu.memory_space<hbm>> -> memref<100000x128xf32, #tpu.memory_space<hbm>>
      tpu.enqueue_indirect_dma source(%dma_start3A_87 : memref<128x128xf32, #tpu.memory_space<vmem>>) target(%dma_start3A_93 : memref<100000x128xf32, #tpu.memory_space<hbm>>) offsets(%dma_start3A_90 : memref<128xi32, #tpu.memory_space<vmem>>) semaphore(%arg14 : memref<!tpu.dma_semaphore, #tpu.memory_space<semaphore_mem>>)
      %add3A_94 = arith.constant 1 : i32
      %add3A_95 = arith.addi %while3A_59, %add3A_94 : i32
      %lt3A_96 = arith.cmpi slt, %add3A_95, %select_n3A : i32
      %convert_element_type3A_97 = arith.extui %lt3A_96 : i1 to i32
      %cond3A_98 = arith.constant 0 : i32
      %cond3A_99 = arith.cmpi ne, %convert_element_type3A_97, %cond3A_98 : i32
      scf.if %cond3A_99 {
        %add3A_100 = arith.constant 1 : i32
        %add3A_101 = arith.addi %while3A_59, %add3A_100 : i32
        %jit3A_102 = arith.constant 2 : i32
        %eq3A_103 = arith.constant 0 : i32
        %eq3A_104 = arith.cmpi eq, %jit3A_102, %eq3A_103 : i32
        %jit3A_105 = arith.constant 1 : i32
        %select_n3A_106 = arith.select %eq3A_104, %jit3A_105, %jit3A_102 : i32
        %rem3A_107 = arith.remsi %add3A_101, %select_n3A_106 : i32
        %ne3A_108 = arith.constant 0 : i32
        %ne3A_109 = arith.cmpi ne, %rem3A_107, %ne3A_108 : i32
        %lt3A_110 = arith.constant 0 : i32
        %lt3A_111 = arith.cmpi slt, %rem3A_107, %lt3A_110 : i32
        %lt3A_112 = arith.constant 0 : i32
        %lt3A_113 = arith.cmpi slt, %select_n3A_106, %lt3A_112 : i32
        %ne3A_114 = arith.xori %lt3A_111, %lt3A_113 : i1
        %and3A_115 = arith.andi %ne3A_114, %ne3A_109 : i1
        %add3A_116 = arith.addi %rem3A_107, %select_n3A_106 : i32
        %select_n3A_117 = arith.select %and3A_115, %add3A_116, %rem3A_107 : i32
        %scan3A = arith.constant 0 : i32
        %scan3A_118 = arith.constant 0 : i32
        %scan3A_119 = arith.constant 8 : i32
        %scan3A_120 = arith.addi %scan3A_118, %scan3A_119 : i32
        %scan3A_121 = arith.constant 1 : i32
        scf.for %scan3A_142 = %scan3A_118 to %scan3A_120 step %scan3A_121  : i32 {
          %mul3A_143 = arith.constant 128 : i32
          %mul3A_144 = arith.muli %add3A_101, %mul3A_143 : i32
          %mul3A_145 = arith.constant 16 : i32
          %mul3A_146 = arith.muli %scan3A_142, %mul3A_145 : i32
          %add3A_147 = arith.addi %mul3A_144, %mul3A_146 : i32
          %get3A_148 = arith.index_cast %add3A_147 : i32 to index
          %get3A_149 = tpu.vector_load %arg7[%get3A_148] {strides = array<i32>} : memref<3280xi32, #tpu.memory_space<vmem>>, vector<16xi32>,
          %shift_right_logical3A = arith.constant 14 : i32
          %shift_right_logical3A_150 = vector.broadcast %shift_right_logical3A : i32 to vector<16xi32>
          %shift_right_logical3A_151 = arith.shrui %get3A_149, %shift_right_logical3A_150 : vector<16xi32>
          %mul3A_152 = arith.constant 16 : i32
          %mul3A_153 = arith.muli %scan3A_142, %mul3A_152 : i32
          %swap3A = arith.index_cast %select_n3A_117 : i32 to index
          %swap3A_154 = arith.index_cast %mul3A_153 : i32 to index
          %swap3A_155 = tpu.vector_load %arg9[%swap3A, %swap3A_154] {strides = array<i32>} : memref<2x128xi32, #tpu.memory_space<vmem>>, vector<16xi32>,
          tpu.vector_store %arg9[%swap3A, %swap3A_154], %shift_right_logical3A_151 {strides = array<i32>} : memref<2x128xi32, #tpu.memory_space<vmem>>, vector<16xi32>,
          %and3A_156 = arith.constant 16383 : i32
          %and3A_157 = vector.broadcast %and3A_156 : i32 to vector<16xi32>
          %and3A_158 = arith.andi %get3A_149, %and3A_157 : vector<16xi32>
          %mul3A_159 = arith.constant 16 : i32
          %mul3A_160 = arith.muli %scan3A_142, %mul3A_159 : i32
          %swap3A_161 = arith.index_cast %select_n3A_117 : i32 to index
          %swap3A_162 = arith.index_cast %mul3A_160 : i32 to index
          %swap3A_163 = tpu.vector_load %arg10[%swap3A_161, %swap3A_162] {strides = array<i32>} : memref<2x128xi32, #tpu.memory_space<vmem>>, vector<16xi32>,
          tpu.vector_store %arg10[%swap3A_161, %swap3A_162], %and3A_158 {strides = array<i32>} : memref<2x128xi32, #tpu.memory_space<vmem>>, vector<16xi32>,
        }
        %scan3A_122 = arith.constant 8 : i32
        %ge3A_123 = arith.constant 1 : i32
        %ge3A_124 = arith.cmpi sge, %while3A_59, %ge3A_123 : i32
        %convert_element_type3A_125 = arith.extui %ge3A_124 : i1 to i32
        %cond3A_126 = arith.constant 0 : i32
        %cond3A_127 = arith.cmpi ne, %convert_element_type3A_125, %cond3A_126 : i32
        scf.if %cond3A_127 {
          %sub3A_142 = arith.constant 1 : i32
          %sub3A_143 = arith.subi %sub3A_142, %select_n3A_73 : i32
          %sub3A_144 = arith.constant 1 : i32
          %sub3A_145 = arith.subi %sub3A_144, %select_n3A_73 : i32
          %dma_wait3A_146 = arith.constant 0 : i32
          %dma_wait3A_147 = arith.constant 0 : i32
          %dma_wait3A_148 = tpu.memref_slice %arg11[%sub3A_143, %dma_wait3A_146, %dma_wait3A_147] : memref<2x128x128xf32, #tpu.memory_space<vmem>> -> memref<1x128x128xf32, #tpu.memory_space<vmem>>
          %dma_wait3A_149 = tpu.memref_squeeze %dma_wait3A_148 : memref<1x128x128xf32, #tpu.memory_space<vmem>> -> memref<128x128xf32, #tpu.memory_space<vmem>>
          %dma_wait3A_150 = arith.constant 0 : i32
          %dma_wait3A_151 = tpu.memref_slice %arg9[%sub3A_145, %dma_wait3A_150] : memref<2x128xi32, #tpu.memory_space<vmem>> -> memref<1x128xi32, #tpu.memory_space<vmem>>
          %dma_wait3A_152 = tpu.memref_squeeze %dma_wait3A_151 : memref<1x128xi32, #tpu.memory_space<vmem>> -> memref<128xi32, #tpu.memory_space<vmem>>
          %dma_wait3A_153 = arith.constant 0 : i32
          %dma_wait3A_154 = arith.constant 0 : i32
          %dma_wait3A_155 = tpu.memref_slice %arg5[%dma_wait3A_153, %dma_wait3A_154] : memref<100000x128xf32, #tpu.memory_space<hbm>> -> memref<100000x128xf32, #tpu.memory_space<hbm>>
          tpu.wait_indirect_dma semaphore(%arg14 : memref<!tpu.dma_semaphore, #tpu.memory_space<semaphore_mem>>) src(%dma_wait3A_149 : memref<128x128xf32, #tpu.memory_space<vmem>>) dst(%dma_wait3A_155 : memref<100000x128xf32, #tpu.memory_space<hbm>>)
        } else {
        }
        %sub3A_128 = arith.constant 1 : i32
        %sub3A_129 = arith.subi %sub3A_128, %select_n3A_73 : i32
        %sub3A_130 = arith.constant 1 : i32
        %sub3A_131 = arith.subi %sub3A_130, %select_n3A_73 : i32
        %dma_start3A_132 = arith.constant 0 : i32
        %dma_start3A_133 = arith.constant 0 : i32
        %dma_start3A_134 = tpu.memref_slice %arg11[%sub3A_131, %dma_start3A_132, %dma_start3A_133] : memref<2x128x128xf32, #tpu.memory_space<vmem>> -> memref<1x128x128xf32, #tpu.memory_space<vmem>>
        %dma_start3A_135 = tpu.memref_squeeze %dma_start3A_134 : memref<1x128x128xf32, #tpu.memory_space<vmem>> -> memref<128x128xf32, #tpu.memory_space<vmem>>
        %dma_start3A_136 = arith.constant 0 : i32
        %dma_start3A_137 = tpu.memref_slice %arg10[%sub3A_129, %dma_start3A_136] : memref<2x128xi32, #tpu.memory_space<vmem>> -> memref<1x128xi32, #tpu.memory_space<vmem>>
        %dma_start3A_138 = tpu.memref_squeeze %dma_start3A_137 : memref<1x128xi32, #tpu.memory_space<vmem>> -> memref<128xi32, #tpu.memory_space<vmem>>
        %dma_start3A_139 = arith.constant 0 : i32
        %dma_start3A_140 = arith.constant 0 : i32
        %dma_start3A_141 = tpu.memref_slice %arg4[%dma_start3A_139, %dma_start3A_140] : memref<16384x128xf32, #tpu.memory_space<hbm>> -> memref<16384x128xf32, #tpu.memory_space<hbm>>
        tpu.enqueue_indirect_dma source(%dma_start3A_141 : memref<16384x128xf32, #tpu.memory_space<hbm>>) target(%dma_start3A_135 : memref<128x128xf32, #tpu.memory_space<vmem>>) offsets(%dma_start3A_138 : memref<128xi32, #tpu.memory_space<vmem>>) semaphore(%arg13 : memref<!tpu.dma_semaphore, #tpu.memory_space<semaphore_mem>>)
      } else {
      }
    }
    %while3A_49 = arith.constant 1 : i32
    scf.for %while3A_59 = %while3A_47 to %while3A_43 step %while3A_49  : i32 {
      %jit3A_60 = arith.constant 2 : i32
      %eq3A = arith.constant 0 : i32
      %eq3A_61 = arith.cmpi eq, %jit3A_60, %eq3A : i32
      %jit3A_62 = arith.constant 1 : i32
      %select_n3A_63 = arith.select %eq3A_61, %jit3A_62, %jit3A_60 : i32
      %rem3A_64 = arith.remsi %while3A_59, %select_n3A_63 : i32
      %ne3A_65 = arith.constant 0 : i32
      %ne3A_66 = arith.cmpi ne, %rem3A_64, %ne3A_65 : i32
      %lt3A = arith.constant 0 : i32
      %lt3A_67 = arith.cmpi slt, %rem3A_64, %lt3A : i32
      %lt3A_68 = arith.constant 0 : i32
      %lt3A_69 = arith.cmpi slt, %select_n3A_63, %lt3A_68 : i32
      %ne3A_70 = arith.xori %lt3A_67, %lt3A_69 : i1
      %and3A_71 = arith.andi %ne3A_70, %ne3A_66 : i1
      %add3A_72 = arith.addi %rem3A_64, %select_n3A_63 : i32
      %select_n3A_73 = arith.select %and3A_71, %add3A_72, %rem3A_64 : i32
      %dma_wait3A_74 = arith.constant 0 : i32
      %dma_wait3A_75 = arith.constant 0 : i32
      %dma_wait3A_76 = tpu.memref_slice %arg11[%select_n3A_73, %dma_wait3A_74, %dma_wait3A_75] : memref<2x128x128xf32, #tpu.memory_space<vmem>> -> memref<1x128x128xf32, #tpu.memory_space<vmem>>
      %dma_wait3A_77 = tpu.memref_squeeze %dma_wait3A_76 : memref<1x128x128xf32, #tpu.memory_space<vmem>> -> memref<128x128xf32, #tpu.memory_space<vmem>>
      %dma_wait3A_78 = arith.constant 0 : i32
      %dma_wait3A_79 = tpu.memref_slice %arg10[%select_n3A_73, %dma_wait3A_78] : memref<2x128xi32, #tpu.memory_space<vmem>> -> memref<1x128xi32, #tpu.memory_space<vmem>>
      %dma_wait3A_80 = tpu.memref_squeeze %dma_wait3A_79 : memref<1x128xi32, #tpu.memory_space<vmem>> -> memref<128xi32, #tpu.memory_space<vmem>>
      %dma_wait3A_81 = arith.constant 0 : i32
      %dma_wait3A_82 = arith.constant 0 : i32
      %dma_wait3A_83 = tpu.memref_slice %arg4[%dma_wait3A_81, %dma_wait3A_82] : memref<16384x128xf32, #tpu.memory_space<hbm>> -> memref<16384x128xf32, #tpu.memory_space<hbm>>
      tpu.wait_indirect_dma semaphore(%arg13 : memref<!tpu.dma_semaphore, #tpu.memory_space<semaphore_mem>>) src(%dma_wait3A_83 : memref<16384x128xf32, #tpu.memory_space<hbm>>) dst(%dma_wait3A_77 : memref<128x128xf32, #tpu.memory_space<vmem>>)
      %dma_start3A_84 = arith.constant 0 : i32
      %dma_start3A_85 = arith.constant 0 : i32
      %dma_start3A_86 = tpu.memref_slice %arg11[%select_n3A_73, %dma_start3A_84, %dma_start3A_85] : memref<2x128x128xf32, #tpu.memory_space<vmem>> -> memref<1x128x128xf32, #tpu.memory_space<vmem>>
      %dma_start3A_87 = tpu.memref_squeeze %dma_start3A_86 : memref<1x128x128xf32, #tpu.memory_space<vmem>> -> memref<128x128xf32, #tpu.memory_space<vmem>>
      %dma_start3A_88 = arith.constant 0 : i32
      %dma_start3A_89 = tpu.memref_slice %arg9[%select_n3A_73, %dma_start3A_88] : memref<2x128xi32, #tpu.memory_space<vmem>> -> memref<1x128xi32, #tpu.memory_space<vmem>>
      %dma_start3A_90 = tpu.memref_squeeze %dma_start3A_89 : memref<1x128xi32, #tpu.memory_space<vmem>> -> memref<128xi32, #tpu.memory_space<vmem>>
      %dma_start3A_91 = arith.constant 0 : i32
      %dma_start3A_92 = arith.constant 0 : i32
      %dma_start3A_93 = tpu.memref_slice %arg5[%dma_start3A_91, %dma_start3A_92] : memref<100000x128xf32, #tpu.memory_space<hbm>> -> memref<100000x128xf32, #tpu.memory_space<hbm>>
      tpu.enqueue_indirect_dma source(%dma_start3A_87 : memref<128x128xf32, #tpu.memory_space<vmem>>) target(%dma_start3A_93 : memref<100000x128xf32, #tpu.memory_space<hbm>>) offsets(%dma_start3A_90 : memref<128xi32, #tpu.memory_space<vmem>>) semaphore(%arg14 : memref<!tpu.dma_semaphore, #tpu.memory_space<semaphore_mem>>)
      %add3A_94 = arith.constant 1 : i32
      %add3A_95 = arith.addi %while3A_59, %add3A_94 : i32
      %lt3A_96 = arith.cmpi slt, %add3A_95, %select_n3A : i32
      %convert_element_type3A_97 = arith.extui %lt3A_96 : i1 to i32
      %cond3A_98 = arith.constant 0 : i32
      %cond3A_99 = arith.cmpi ne, %convert_element_type3A_97, %cond3A_98 : i32
      scf.if %cond3A_99 {
        %add3A_100 = arith.constant 1 : i32
        %add3A_101 = arith.addi %while3A_59, %add3A_100 : i32
        %jit3A_102 = arith.constant 2 : i32
        %eq3A_103 = arith.constant 0 : i32
        %eq3A_104 = arith.cmpi eq, %jit3A_102, %eq3A_103 : i32
        %jit3A_105 = arith.constant 1 : i32
        %select_n3A_106 = arith.select %eq3A_104, %jit3A_105, %jit3A_102 : i32
        %rem3A_107 = arith.remsi %add3A_101, %select_n3A_106 : i32
        %ne3A_108 = arith.constant 0 : i32
        %ne3A_109 = arith.cmpi ne, %rem3A_107, %ne3A_108 : i32
        %lt3A_110 = arith.constant 0 : i32
        %lt3A_111 = arith.cmpi slt, %rem3A_107, %lt3A_110 : i32
        %lt3A_112 = arith.constant 0 : i32
        %lt3A_113 = arith.cmpi slt, %select_n3A_106, %lt3A_112 : i32
        %ne3A_114 = arith.xori %lt3A_111, %lt3A_113 : i1
        %and3A_115 = arith.andi %ne3A_114, %ne3A_109 : i1
        %add3A_116 = arith.addi %rem3A_107, %select_n3A_106 : i32
        %select_n3A_117 = arith.select %and3A_115, %add3A_116, %rem3A_107 : i32
        %scan3A = arith.constant 0 : i32
        %scan3A_118 = arith.constant 0 : i32
        %scan3A_119 = arith.constant 8 : i32
        %scan3A_120 = arith.addi %scan3A_118, %scan3A_119 : i32
        %scan3A_121 = arith.constant 1 : i32
        scf.for %scan3A_142 = %scan3A_118 to %scan3A_120 step %scan3A_121  : i32 {
          %mul3A_143 = arith.constant 128 : i32
          %mul3A_144 = arith.muli %add3A_101, %mul3A_143 : i32
          %mul3A_145 = arith.constant 16 : i32
          %mul3A_146 = arith.muli %scan3A_142, %mul3A_145 : i32
          %add3A_147 = arith.addi %mul3A_144, %mul3A_146 : i32
          %get3A_148 = arith.index_cast %add3A_147 : i32 to index
          %get3A_149 = tpu.vector_load %arg7[%get3A_148] {strides = array<i32>} : memref<3280xi32, #tpu.memory_space<vmem>>, vector<16xi32>,
          %shift_right_logical3A = arith.constant 14 : i32
          %shift_right_logical3A_150 = vector.broadcast %shift_right_logical3A : i32 to vector<16xi32>
          %shift_right_logical3A_151 = arith.shrui %get3A_149, %shift_right_logical3A_150 : vector<16xi32>
          %mul3A_152 = arith.constant 16 : i32
          %mul3A_153 = arith.muli %scan3A_142, %mul3A_152 : i32
          %swap3A = arith.index_cast %select_n3A_117 : i32 to index
          %swap3A_154 = arith.index_cast %mul3A_153 : i32 to index
          %swap3A_155 = tpu.vector_load %arg9[%swap3A, %swap3A_154] {strides = array<i32>} : memref<2x128xi32, #tpu.memory_space<vmem>>, vector<16xi32>,
          tpu.vector_store %arg9[%swap3A, %swap3A_154], %shift_right_logical3A_151 {strides = array<i32>} : memref<2x128xi32, #tpu.memory_space<vmem>>, vector<16xi32>,
          %and3A_156 = arith.constant 16383 : i32
          %and3A_157 = vector.broadcast %and3A_156 : i32 to vector<16xi32>
          %and3A_158 = arith.andi %get3A_149, %and3A_157 : vector<16xi32>
          %mul3A_159 = arith.constant 16 : i32
          %mul3A_160 = arith.muli %scan3A_142, %mul3A_159 : i32
          %swap3A_161 = arith.index_cast %select_n3A_117 : i32 to index
          %swap3A_162 = arith.index_cast %mul3A_160 : i32 to index
          %swap3A_163 = tpu.vector_load %arg10[%swap3A_161, %swap3A_162] {strides = array<i32>} : memref<2x128xi32, #tpu.memory_space<vmem>>, vector<16xi32>,
          tpu.vector_store %arg10[%swap3A_161, %swap3A_162], %and3A_158 {strides = array<i32>} : memref<2x128xi32, #tpu.memory_space<vmem>>, vector<16xi32>,
        }
        %scan3A_122 = arith.constant 8 : i32
        %ge3A_123 = arith.constant 1 : i32
        %ge3A_124 = arith.cmpi sge, %while3A_59, %ge3A_123 : i32
        %convert_element_type3A_125 = arith.extui %ge3A_124 : i1 to i32
        %cond3A_126 = arith.constant 0 : i32
        %cond3A_127 = arith.cmpi ne, %convert_element_type3A_125, %cond3A_126 : i32
        scf.if %cond3A_127 {
          %sub3A_142 = arith.constant 1 : i32
          %sub3A_143 = arith.subi %sub3A_142, %select_n3A_73 : i32
          %sub3A_144 = arith.constant 1 : i32
          %sub3A_145 = arith.subi %sub3A_144, %select_n3A_73 : i32
          %dma_wait3A_146 = arith.constant 0 : i32
          %dma_wait3A_147 = arith.constant 0 : i32
          %dma_wait3A_148 = tpu.memref_slice %arg11[%sub3A_143, %dma_wait3A_146, %dma_wait3A_147] : memref<2x128x128xf32, #tpu.memory_space<vmem>> -> memref<1x128x128xf32, #tpu.memory_space<vmem>>
          %dma_wait3A_149 = tpu.memref_squeeze %dma_wait3A_148 : memref<1x128x128xf32, #tpu.memory_space<vmem>> -> memref<128x128xf32, #tpu.memory_space<vmem>>
          %dma_wait3A_150 = arith.constant 0 : i32
          %dma_wait3A_151 = tpu.memref_slice %arg9[%sub3A_145, %dma_wait3A_150] : memref<2x128xi32, #tpu.memory_space<vmem>> -> memref<1x128xi32, #tpu.memory_space<vmem>>
          %dma_wait3A_152 = tpu.memref_squeeze %dma_wait3A_151 : memref<1x128xi32, #tpu.memory_space<vmem>> -> memref<128xi32, #tpu.memory_space<vmem>>
          %dma_wait3A_153 = arith.constant 0 : i32
          %dma_wait3A_154 = arith.constant 0 : i32
          %dma_wait3A_155 = tpu.memref_slice %arg5[%dma_wait3A_153, %dma_wait3A_154] : memref<100000x128xf32, #tpu.memory_space<hbm>> -> memref<100000x128xf32, #tpu.memory_space<hbm>>
          tpu.wait_indirect_dma semaphore(%arg14 : memref<!tpu.dma_semaphore, #tpu.memory_space<semaphore_mem>>) src(%dma_wait3A_149 : memref<128x128xf32, #tpu.memory_space<vmem>>) dst(%dma_wait3A_155 : memref<100000x128xf32, #tpu.memory_space<hbm>>)
        } else {
        }
        %sub3A_128 = arith.constant 1 : i32
        %sub3A_129 = arith.subi %sub3A_128, %select_n3A_73 : i32
        %sub3A_130 = arith.constant 1 : i32
        %sub3A_131 = arith.subi %sub3A_130, %select_n3A_73 : i32
        %dma_start3A_132 = arith.constant 0 : i32
        %dma_start3A_133 = arith.constant 0 : i32
        %dma_start3A_134 = tpu.memref_slice %arg11[%sub3A_131, %dma_start3A_132, %dma_start3A_133] : memref<2x128x128xf32, #tpu.memory_space<vmem>> -> memref<1x128x128xf32, #tpu.memory_space<vmem>>
        %dma_start3A_135 = tpu.memref_squeeze %dma_start3A_134 : memref<1x128x128xf32, #tpu.memory_space<vmem>> -> memref<128x128xf32, #tpu.memory_space<vmem>>
        %dma_start3A_136 = arith.constant 0 : i32
        %dma_start3A_137 = tpu.memref_slice %arg10[%sub3A_129, %dma_start3A_136] : memref<2x128xi32, #tpu.memory_space<vmem>> -> memref<1x128xi32, #tpu.memory_space<vmem>>
        %dma_start3A_138 = tpu.memref_squeeze %dma_start3A_137 : memref<1x128xi32, #tpu.memory_space<vmem>> -> memref<128xi32, #tpu.memory_space<vmem>>
        %dma_start3A_139 = arith.constant 0 : i32
        %dma_start3A_140 = arith.constant 0 : i32
        %dma_start3A_141 = tpu.memref_slice %arg4[%dma_start3A_139, %dma_start3A_140] : memref<16384x128xf32, #tpu.memory_space<hbm>> -> memref<16384x128xf32, #tpu.memory_space<hbm>>
        tpu.enqueue_indirect_dma source(%dma_start3A_141 : memref<16384x128xf32, #tpu.memory_space<hbm>>) target(%dma_start3A_135 : memref<128x128xf32, #tpu.memory_space<vmem>>) offsets(%dma_start3A_138 : memref<128xi32, #tpu.memory_space<vmem>>) semaphore(%arg13 : memref<!tpu.dma_semaphore, #tpu.memory_space<semaphore_mem>>)
      } else {
      }
    }
    %ge3A = arith.constant 2 : i32
    %ge3A_50 = arith.cmpi sge, %select_n3A, %ge3A : i32
    %convert_element_type3A_51 = arith.extui %ge3A_50 : i1 to i32
    %cond3A_52 = arith.constant 0 : i32
    %cond3A_53 = arith.cmpi ne, %convert_element_type3A_51, %cond3A_52 : i32
    scf.if %cond3A_53 {
      %dma_wait3A_59 = arith.constant 0 : i32
      %dma_wait3A_60 = arith.constant 0 : i32
      %dma_wait3A_61 = arith.constant 0 : i32
      %dma_wait3A_62 = arith.constant 0 : i32
      %dma_wait3A_63 = tpu.memref_slice %arg11[%dma_wait3A_59, %dma_wait3A_61, %dma_wait3A_62] : memref<2x128x128xf32, #tpu.memory_space<vmem>> -> memref<1x128x128xf32, #tpu.memory_space<vmem>>
      %dma_wait3A_64 = tpu.memref_squeeze %dma_wait3A_63 : memref<1x128x128xf32, #tpu.memory_space<vmem>> -> memref<128x128xf32, #tpu.memory_space<vmem>>
      %dma_wait3A_65 = arith.constant 0 : i32
      %dma_wait3A_66 = tpu.memref_slice %arg9[%dma_wait3A_60, %dma_wait3A_65] : memref<2x128xi32, #tpu.memory_space<vmem>> -> memref<1x128xi32, #tpu.memory_space<vmem>>
      %dma_wait3A_67 = tpu.memref_squeeze %dma_wait3A_66 : memref<1x128xi32, #tpu.memory_space<vmem>> -> memref<128xi32, #tpu.memory_space<vmem>>
      %dma_wait3A_68 = arith.constant 0 : i32
      %dma_wait3A_69 = arith.constant 0 : i32
      %dma_wait3A_70 = tpu.memref_slice %arg5[%dma_wait3A_68, %dma_wait3A_69] : memref<100000x128xf32, #tpu.memory_space<hbm>> -> memref<100000x128xf32, #tpu.memory_space<hbm>>
      tpu.wait_indirect_dma semaphore(%arg14 : memref<!tpu.dma_semaphore, #tpu.memory_space<semaphore_mem>>) src(%dma_wait3A_64 : memref<128x128xf32, #tpu.memory_space<vmem>>) dst(%dma_wait3A_70 : memref<100000x128xf32, #tpu.memory_space<hbm>>)
    } else {
    }
    %ge3A_54 = arith.constant 1 : i32
    %ge3A_55 = arith.cmpi sge, %select_n3A, %ge3A_54 : i32
    %convert_element_type3A_56 = arith.extui %ge3A_55 : i1 to i32
    %cond3A_57 = arith.constant 0 : i32
    %cond3A_58 = arith.cmpi ne, %convert_element_type3A_56, %cond3A_57 : i32
    scf.if %cond3A_58 {
      %dma_wait3A_59 = arith.constant 0 : i32
      %dma_wait3A_60 = arith.constant 0 : i32
      %dma_wait3A_61 = arith.constant 0 : i32
      %dma_wait3A_62 = arith.constant 0 : i32
      %dma_wait3A_63 = tpu.memref_slice %arg11[%dma_wait3A_59, %dma_wait3A_61, %dma_wait3A_62] : memref<2x128x128xf32, #tpu.memory_space<vmem>> -> memref<1x128x128xf32, #tpu.memory_space<vmem>>
      %dma_wait3A_64 = tpu.memref_squeeze %dma_wait3A_63 : memref<1x128x128xf32, #tpu.memory_space<vmem>> -> memref<128x128xf32, #tpu.memory_space<vmem>>
      %dma_wait3A_65 = arith.constant 0 : i32
      %dma_wait3A_66 = tpu.memref_slice %arg9[%dma_wait3A_60, %dma_wait3A_65] : memref<2x128xi32, #tpu.memory_space<vmem>> -> memref<1x128xi32, #tpu.memory_space<vmem>>
      %dma_wait3A_67 = tpu.memref_squeeze %dma_wait3A_66 : memref<1x128xi32, #tpu.memory_space<vmem>> -> memref<128xi32, #tpu.memory_space<vmem>>
      %dma_wait3A_68 = arith.constant 0 : i32
      %dma_wait3A_69 = arith.constant 0 : i32
      %dma_wait3A_70 = tpu.memref_slice %arg5[%dma_wait3A_68, %dma_wait3A_69] : memref<100000x128xf32, #tpu.memory_space<hbm>> -> memref<100000x128xf32, #tpu.memory_space<hbm>>
      tpu.wait_indirect_dma semaphore(%arg14 : memref<!tpu.dma_semaphore, #tpu.memory_space<semaphore_mem>>) src(%dma_wait3A_64 : memref<128x128xf32, #tpu.memory_space<vmem>>) dst(%dma_wait3A_70 : memref<100000x128xf32, #tpu.memory_space<hbm>>)
    } else {
    }
    return
  }
}

module attributes {stable_mosaic.version = 14 : i64} {
  func.func @_copy_body(%arg0: i32, %arg1: memref<4000x128xf32, #tpu.memory_space<vmem>>, %arg2: memref<4000x128xf32, #tpu.memory_space<vmem>>) attributes {dimension_semantics = [#tpu.dimension_semantics<arbitrary>], iteration_bounds = array<i64: 25>, scalar_prefetch = 0 : i64, scratch_operands = 0 : i64, tpu.core_type = #tpu.core_type<tc>, window_params = [{transform_indices = @transform_0, window_bounds = array<i64: 4000, 128>}, {transform_indices = @transform_1, window_bounds = array<i64: 4000, 128>}]} {
    %get3A = arith.constant 0 : index
    %get3A_0 = arith.constant 0 : index
    %get3A_1 = vector.load %arg1[%get3A, %get3A_0] : memref<4000x128xf32, #tpu.memory_space<vmem>>, vector<4000x128xf32>
    %swap3A = arith.constant 0 : index
    %swap3A_2 = arith.constant 0 : index
    %swap3A_3 = vector.load %arg2[%swap3A, %swap3A_2] : memref<4000x128xf32, #tpu.memory_space<vmem>>, vector<4000x128xf32>
    tpu.vector_store %arg2[%swap3A, %swap3A_2], %get3A_1 {strides = array<i32>} : memref<4000x128xf32, #tpu.memory_space<vmem>>, vector<4000x128xf32>,
    return
  }
  func.func @transform_0(%arg0: i32) -> (i32, i32) {
    %c0_i32 = arith.constant 0 : i32
    %c0_i32_0 = arith.constant 0 : i32
    return %arg0, %c0_i32 : i32, i32
  }
  func.func @transform_1(%arg0: i32) -> (i32, i32) {
    %c0_i32 = arith.constant 0 : i32
    %c0_i32_0 = arith.constant 0 : i32
    return %arg0, %c0_i32 : i32, i32
  }
}

</mosaic_0001>

<sc_bundles>
// kernel: kernel.5.cloned.1.call-start
scs
__scs_entry_jumppad:
0x0: {  	(pc) =	sbr.rel $0x88, $3  }
0x1: {  	(tag) =	ssettag $0x0;
	lr =	simm.s32 $0x1  }
0x2: {  	[smem:$0x3F9E] =	sst lr;
	_ =	strace $0xD0000000  }
0x3: {  	_ = 	snop  }
0x4: {  	_ = 	snop  }
0x5: {  	_ = 	snop  }
0x6: {  	_ = 	snop  }
0x7: {  	_ = 	snop  }
__scs_overlays_trampoline_lowered:
0x8: {  	[smem:$0x3FAD] =	sst s0  }
0x9: {  	[smem:$0x3FAE] =	sst s1  }
0xa: {  	[smem:$0x3FAF] =	sst s2  }
0xb: {  	[smem:$0x3FB0] =	sst s3  }
0xc: {  	[smem:$0x3FB1] =	sst s4  }
0xd: {  	[smem:$0x3FB2] =	sst s5  }
0xe: {  	[smem:$0x3FB3] =	sst s6  }
0xf: {  	[smem:$0x3FB4] =	sst s7  }
0x10: {  	[smem:$0x3FB5] =	sst s8  }
0x11: {  	[smem:$0x3FB6] =	sst s9;
	s0 =	simm.s32 @!p0 $0x0  }
0x12: {  	s1 =	sld [smem:$0x3F9C];
	s0 =	simm.s32 @p0 $0x1  }
0x13: {  	[smem:$0x3FB7] =	sst s0;
	s0 =	simm.s32 @!p1 $0x0  }
0x14: {  	s2 =	sld [smem:$0x3F9B];
	s0 =	simm.s32 @p1 $0x1  }
0x15: {  	[smem:$0x3FB8] =	sst s0;
	s0 =	simm.s32 @!p2 $0x0  }
0x16: {  	s3 =	sld [smem:$0x3FDB];
	s0 =	simm.s32 @p2 $0x1  }
0x17: {  	s4 =	simm.s32 $0x1BF5;
	[smem:$0x3FBA] =	sst s0  }
0x18: {  	s0 =	sld [smem:$0x3F9D];
	_ =	swait.ge [sflag:s4], $0x0  }
0x19: {  	s7 =	sld [smem:$0x3F9E]  }
0x1a: {  	s8 =	sadd.s32 $0xFFFFE003, lr  }
0x1b: {  	s9 =	sadd.s32 $0xFFFFFEF7, lr;
	s5 =	simm.s32 $0xFFFFFFFF;
	p2 =	slt.u32 s8, $0xFFFFF086  }
0x1c: {  	p1 =	slt.u32 s9, $0xF7A;
	s5 =	simm.s32 @!p2 $0x0  }
0x1d: {  	s5 =	simm.s32 @p1 $0x1;
	p0 =	seq.s32 s7, s2  }
0x1e: {  	s7 =	smul.u32 @!p0 $0xF7A, s2;
	p2 =	seq.s32 @!p0 s5, $0x0  }
0x1f: {  	s9 =	smul.u32 $0xF7A, s1;
	s8 =	simm.s32 @!p0 $0x1BF5;
	p2 =	por !p2, p0  }
0x20: {  	[sflag:s8] =	ssyncset.s32 @!p0 $0xFFFFF086;
	s6 =	sadd.s32 @!p0 s3, s7;
	s7 =	simm.s32 @!p0 $0x108  }
0x21: {  	s3 =	sadd.s32 s3, s9;
	s6 =	sadd.s32 @!p0 $0x88, s6;
	s7 =	simm.s32 @p2 $0x1082  }
0x22: {  	[simem:s7], [sflag:s8] =	dma.local @!p0 [hbm:s6], $0xF7A  }
0x23: {  	s9 =	sor.u32 $0xD0000000, s2;
	s6 =	simm.s32 $0x108;
	_ =	swait.ge @!p0 [sflag:s8], $0x0  }
0x24: {  	s3 =	sadd.s32 $0x88, s3;
	s6 =	simm.s32 @!p1 $0x1082;
	[sflag:s4] =	ssyncset.s32 $0xFFFFF086  }
0x25: {  	[simem:s6], [sflag:s4] =	dma.local [hbm:s3], $0xF7A  }
0x26: {  	[smem:$0x3F9E] =	sst s1;
	(tag) =	ssettag s2;
	_ =	strace s9  }
0x27: {  	s1 =	sld [smem:$0x3FAE]  }
0x28: {  	s2 =	sld [smem:$0x3FAF]  }
0x29: {  	s4 =	sld [smem:$0x3FB1]  }
0x2a: {  	p0 =	seq.s32 s5, $0x0;
	s5 =	sld [smem:$0x3FB2]  }
0x2b: {  	s6 =	sld [smem:$0x3FB3]  }
0x2c: {  	s7 =	sld [smem:$0x3FB4]  }
0x2d: {  	s3 =	simm.s32 $0x108;
	s8 =	sld [smem:$0x3FB5]  }
0x2e: {  	s3 =	simm.s32 @!p0 $0x1082;
	s9 =	sld [smem:$0x3FB6]  }
0x2f: {  	lr =	sadd.s32 s0, s3;
	s0 =	sld [smem:$0x3FAD]  }
0x30: {  	s3 =	sld [smem:$0x3FB0]  }
0x31: {  	[smem:$0x3FB9] =	sst s10  }
0x32: {  	s10 =	sld [smem:$0x3FB7];
	_ =	sdelay $0x3  }
0x33: {  	p0 =	seq.s32 s10, $0x1;
	s10 =	sld [smem:$0x3FB9];
	_ =	sdelay $0x3  }
0x34: {  	[smem:$0x3FB9] =	sst s10  }
0x35: {  	s10 =	sld [smem:$0x3FB8];
	_ =	sdelay $0x3  }
0x36: {  	p1 =	seq.s32 s10, $0x1;
	s10 =	sld [smem:$0x3FB9];
	_ =	sdelay $0x3  }
0x37: {  	[smem:$0x3FB9] =	sst s10  }
0x38: {  	s10 =	sld [smem:$0x3FBA]  }
0x39: {  	_ = 	snop;
	(pc) =	sbr.ind lr, $3  }
0x3a: {  	_ = 	snop  }
0x3b: {  	_ = 	snop  }
0x3c: {  	p2 =	seq.s32 s10, $0x1;
	s10 =	sld [smem:$0x3FB9]  }
0x3d: {  	_ =	shalt  }
0x3e: {  	_ =	shalt  }
0x3f: {  	_ =	shalt  }
0x40: {  	_ =	shalt  }
0x41: {  	_ =	shalt  }
0x42: {  	_ =	shalt  }
0x43: {  	_ =	shalt  }
0x44: {  	_ =	shalt  }
0x45: {  	_ =	shalt  }
0x46: {  	_ =	shalt  }
0x47: {  	_ =	shalt  }
0x48: {  	_ =	shalt  }
0x49: {  	_ =	shalt  }
0x4a: {  	_ =	shalt  }
0x4b: {  	_ =	shalt  }
0x4c: {  	_ =	shalt  }
0x4d: {  	_ =	shalt  }
0x4e: {  	_ =	shalt  }
0x4f: {  	_ =	shalt  }
0x50: {  	_ =	shalt  }
0x51: {  	_ =	shalt  }
0x52: {  	_ =	shalt  }
0x53: {  	_ =	shalt  }
0x54: {  	_ =	shalt  }
0x55: {  	_ =	shalt  }
0x56: {  	_ =	shalt  }
0x57: {  	_ =	shalt  }
0x58: {  	_ =	shalt  }
0x59: {  	_ =	shalt  }
0x5a: {  	_ =	shalt  }
0x5b: {  	_ =	shalt  }
0x5c: {  	_ =	shalt  }
0x5d: {  	_ =	shalt  }
0x5e: {  	_ =	shalt  }
0x5f: {  	_ =	shalt  }
0x60: {  	_ =	shalt  }
0x61: {  	_ =	shalt  }
0x62: {  	_ =	shalt  }
0x63: {  	_ =	shalt  }
0x64: {  	_ =	shalt  }
0x65: {  	_ =	shalt  }
0x66: {  	_ =	shalt  }
0x67: {  	_ =	shalt  }
0x68: {  	_ =	shalt  }
0x69: {  	_ =	shalt  }
0x6a: {  	_ =	shalt  }
0x6b: {  	_ =	shalt  }
0x6c: {  	_ =	shalt  }
0x6d: {  	_ =	shalt  }
0x6e: {  	_ =	shalt  }
0x6f: {  	_ =	shalt  }
0x70: {  	_ =	shalt  }
0x71: {  	_ =	shalt  }
0x72: {  	_ =	shalt  }
0x73: {  	_ =	shalt  }
0x74: {  	_ =	shalt  }
0x75: {  	_ =	shalt  }
0x76: {  	_ =	shalt  }
0x77: {  	_ =	shalt  }
0x78: {  	_ =	shalt  }
0x79: {  	_ =	shalt  }
0x7a: {  	_ =	shalt  }
0x7b: {  	_ =	shalt  }
0x7c: {  	_ =	shalt  }
0x7d: {  	_ =	shalt  }
0x7e: {  	_ =	shalt  }
0x7f: {  	_ =	shalt  }
0x80: {  	_ =	shalt  }
0x81: {  	_ =	shalt  }
0x82: {  	_ =	shalt  }
0x83: {  	_ =	shalt  }
0x84: {  	_ =	shalt  }
0x85: {  	_ =	shalt  }
0x86: {  	_ =	shalt  }
0x87: {  	_ =	shalt  }
.Lfunc_end0:
.L_simem_size_0:
called_computation_lowered:
.L_overlay_start_0:
0x88: {  	s2 =	sld [smem:$0x3FD9]  }
0x89: {  	s3 =	sld [smem:$0x3FFE];
	_ =	sdelay $0x1  }
0x8a: {  	s1 =	srdreg.scid  }
0x8b: {  	s0 =	sand.u32 $0x1, s1  }
0x8c: {  	s17 =	sshll.u32 s0, $0xA;
	s2 =	sadd.s32 s3, s2  }
0x8d: {  	s2 =	sadd.s32 s2, s17  }
0x8e: {  	[smem:$0x3FC5] =	sst s2  }
0x8f: {  	_ = 	snop  }
0x90: {  	s2 =	sld [smem:$0x3FC8];
	(tm) =	ssettm $0x1  }
0x91: {  	s18 =	sld [smem:$0x3FFB];
	_ =	sdelay $0x3  }
0x92: {  	_ =	strace s18  }
0x93: {  	s3 =	sld [smem:$0x3FFC];
	_ =	sdelay $0x3  }
0x94: {  	_ =	strace s3  }
0x95: {  	s3 =	sld [smem:$0x3FFD];
	_ =	sdelay $0x3  }
0x96: {  	_ =	strace s3  }
0x97: {  	_ =	strace $0x8FFFFFFF  }
0x98: {  	s19 =	sld [smem:$0x3FDB];
	_ =	sdelay $0x1  }
0x99: {  	s4 =	simm.s32 $_scs_section_size  }
0x9a: {  	s5 =	simm.s32 $_size__tile_overlayer_lowered;
	s6 =	simm.s32 $_tile_overlayer_lowered  }
0x9b: {  	s22 =	simm.s32 $0x1BFF;
	s21 =	sshll.u32 s6, $0x1;
	s3 =	sadd.s32 s4, s19  }
0x9c: {  	s7 =	simm.s32 $0x0;
	s20 =	sshll.u32 s5, $0x1;
	s5 =	sadd.s32 s21, s3  }
0x9d: {  	[timem:s7], [sflag:s22] =	dma.local [hbm:s5], s20  }
0x9e: {  	_ =	swait.ge [sflag:s22], s20  }
0x9f: {  	s4 =	ssub.s32 $0x0, s20;
	[sflag:s22] =	ssyncset.done $0x0  }
0xa0: {  	[sflag:s22] =	ssyncadd.s32 s4;
	_ =	sdelay $0x1  }
0xa1: {  	s23 =	simm.s32 $0x1B8B  }
0xa2: {  	_ =	swait.ge [sflag:s23], $0x1  }
0xa3: {  	[sflag:s23] =	ssyncset.done $0x0  }
0xa4: {  	s25 =	simm.s32 $0x1B8E;
	s24 =	sld [smem:$0x3FFE];
	[sflag:s23] =	ssyncadd.s32 $0xFFFFFFFF  }
0xa5: {  	s26 =	simm.s32 $execute0_lowered;
	[smem:$0x3FD2] =	sst s25  }
0xa6: {  	s5 =	sshll.u32 s26, $0x1;
	_ =	strace $0x80000046;
	[dreg:$0x1] =	wrdreg $0xFFFFFFFF  }
0xa7: {  	s28 =	simm.s32 $_size_execute0_lowered;
	s3 =	sadd.s32 s3, s5;
	[dreg:$0x0] =	wrdreg $0x0  }
0xa8: {  	s5 =	sshll.u32 s28, $0x1;
	[dreg:$0x2] =	wrdreg s3  }
0xa9: {  	[dreg:$0x3] =	wrdreg s5  }
0xaa: {  	[dreg:$0x4] =	wrdreg $0xC0  }
0xab: {  	_ =	task [dreg:s7], $0x5FFFF  }
0xac: {  	[dreg:$0x1] =	wrdreg $0xFFFFFFFF  }
0xad: {  	[dreg:$0x0] =	wrdreg $0x60  }
0xae: {  	[dreg:$0x2] =	wrdreg s2  }
0xaf: {  	[dreg:$0x3] =	wrdreg s24  }
0xb0: {  	[dreg:$0x4] =	wrdreg $0x9  }
0xb1: {  	_ =	task.clear_ibuf [dreg:s7], $0x5FFFF;
	_ =	strace $0x90000046  }
0xb2: {  	s29 =	simm.s32 $0x9;
	_ =	strace $0x80000048  }
0xb3: {  	_ =	swait.ge [sflag:s29], $0x1  }
0xb4: {  	[sflag:s29] =	ssyncadd.s32 $0xFFFFFFFF  }
0xb5: {  	_ =	strace $0x90000048  }
0xb6: {  	_ =	sfence  }
0xb7: {  	s30 =	sld [smem:$0x0];
	_ =	sdelay $0x2  }
0xb8: {  	s31 =	sshll.u32 s1, $0xD;
	s1 =	sshrl.u32 s1, $0x2  }
0xb9: {  	s3 =	sand.u32 $0x4000, s31;
	s1 =	sadd.s32 s1, s30  }
0xba: {  	s0 =	sor.u32 s3, s0;
	s1 =	sshll.u32 s1, $0x11  }
0xbb: {  	s0 =	sor.u32 s1, s0  }
0xbc: {  	s0 =	sadd.s32 $0x8F2B, s0  }
0xbd: {  	[sflag:s0] =	ssyncadd.remote.s32 $0x1  }
0xbe: {  	_ =	sfence.sel $0xFFFF  }
0xbf: {  	[dreg:$0x0] =	wrdreg $0xFFFFFFFF;
	(pc) =	sbr.abs _section_cstart, $3  }
0xc0: {  	[dreg:$0x1] =	wrdreg $0xFFFFFFFF  }
0xc1: {  	_ =	task.clear_ibuf [dreg:s7], $0x2FFFF;
	_ =	strace $0x9FFFFFFF  }
0xc2: {  	(tm) =	ssettm $0x7FFFFFFF  }
0xc3: {  	_ =	shalt  }
tec
execute0_lowered:
.L_overlay_start_1:
0x0: {  	(tag) =	ssettag $0x1  }
0x1: {  	s2 =	rddreg [dreg:$0x0]  }
0x2: {  	s1 =	srdreg.scid;
	s0 =	stileid.u32  }
0x3: {  	s4 =	rddreg [dreg:$0x1];
	s3 =	simm.s32 $0x0;
	s10 =	simm.s32 $0x5910  }
0x4: {  	s5 =	sand.u32 $0x1, s1;
	s6 =	sshll.u32 s0, $0x1;
	s1 =	rddreg [dreg:$0x2]  }
0x5: {  	s11 =	simm.s32 $0x0;
	[smem:$0x7FF] =	sst s3;
	s6 =	sor.u32 s5, s6  }
0x6: {  	_ =	strace $0x80000047;
	s5 =	ssub.s32 $0x2, s5;
	s7 =	smul.u32 $0x19A, s6  }
0x7: {  	s8 =	sshll.u32 s6, $0x1;
	s31 =	sshrl.u32 s5, $0x1;
	s6 =	smul.u32 $0xC35, s6  }
0x8: {  	s8 =	sadd.s32 s8, s4;
	s9 =	ssub.s32 s5, s31;
	s7 =	sadd.s32 s7, s4  }
0x9: {  	v1 =	vimm.s32 $0xFFFFFFFF;
	s5 =	sadd.s32 $0x4000, s8;
	v0 =	vmov s6;
	s6 =	smax.u32 s9, $0x1;
	s8 =	simm.s32 $0x4C40  }
0xa: {  	v2 =	vimm.f32 $0.0e+00;
	v3 =	vimm.s32 $0x0;
	v4 =	vlaneseq.u32;
	s9 =	simm.s32 $0x2;
	s4 =	sadd.s32 $0xC00, s7;
	s7 =	simm.s32 $0x1  }
.LBB2_1:
0xb: {  	[tilespmem:s3], [sflag:$0x1] =	stream.linear.gather [hbm4b:s2+s3], $0x4000, $0x38;
	[tilespmem:$0x5920] =	vst v63  }
0xc: {  	s12 =	simm.s32 $0x40;
	s13 =	simm.s32 $0x0  }
.LBB2_2:
0xd: {  	p0 =	sne.s32 s12, $0x30C0;
	[tilespmem:s13+$0x4000] =	vst v1;
	s13 =	smov.u32 s12;
	s12 =	sadd.s32 $0x40, s12  }
.Ltmp0:
0xe: {  	(pc) =	sbr.rel @p0 .LBB2_2-.Ltmp0, $2  }
0xf: {  	_ =	sdelay $0x2  }
0x10: {  	s13 =	sshra.s32 s13, $0x2  }
0x11: {  	[tilespmem:s13+$0x4000] =	vst v1  }
0x12: {  	_ =	swait.ge [sflag:s7], $0x4000  }
0x13: {  	s12 =	simm.s32 $0x0;
	[sflag:s7] =	ssyncset.done $0x0  }
0x14: {  	s13 =	simm.s32 $0x10;
	s14 =	simm.s32 $0x0;
	[sflag:s7] =	ssyncadd.s32 $0xFFFFC000  }
.LBB2_4:
0x15: {  	v5 =	vld [tilespmem:s13+$0xFFFFFFF0]  }
0x16: {  	v6 =	vld [tilespmem:s13+$0x0];
	_ =	sdelay $0x4  }
0x17: {  	v7 =	vsub.s32 v5, v0;
	v8 =	vsub.s32 v6, v0  }
0x18: {  	vm0 =	vlt.u32 v7, $0xC35;
	vm1 =	vlt.u32 v8, $0xC35  }
0x19: {  	vm0 =	vmor vm0, vm1  }
0x1a: {  	v9 =	vsel vm0, $0x3F800000, v2  }
0x1b: {  	(xrf0) =	vmax.scan.msk.f32 $0xffff, v9;
	_ =	sdelay $0x5  }
0x1c: {  	v9, _, _ =	vpop (xrf0)  }
0x1d: {  	(v2sf) =	vpush v9, $0xF;
	_ =	sdelay $0xe  }
0x1e: {  	s15 =	spop (v2sf)  }
0x1f: {  	p1 =	sgt.f32 s15, $0.0e+00;
	_ =	sdelay $0x1  }
0x20: {  	vm0 =	vlt.u32 @p1 v7, $0xC35;
	v7 =	vimm.f32 @p1 $0.0e+00  }
0x21: {  	v9 =	vsel @p1 vm0, $0x3F800000, v7  }
0x22: {  	(xrf0) =	vmax.scan.msk.f32 @p1 $0xffff, v9  }
0x23: {  	vm0 =	vlt.u32 @p1 v8, $0xC35  }
0x24: {  	v7 =	vsel @p1 vm0, $0x3F800000, v7  }
0x25: {  	(xrf0) =	vmax.scan.msk.f32 @p1 $0xffff, v7;
	_ =	sdelay $0x2  }
0x26: {  	v7, _, _ =	vpop @p1 (xrf0)  }
0x27: {  	(v2sf) =	vpush @p1 v7, $0xF;
	_ =	sdelay $0x1  }
0x28: {  	v7, _, _ =	vpop @p1 (xrf0)  }
0x29: {  	(v2sf) =	vpush @p1 v7, $0xF;
	_ =	sdelay $0xb  }
0x2a: {  	s15 =	spop @p1 (v2sf)  }
0x2b: {  	p0 =	sgt.f32 @p1 s15, $0.0e+00;
	_ =	sdelay $0x1  }
0x2c: {  	s15 =	spop @p1 (v2sf);
	p0 =	por !p0, !p1  }
0x2d: {  	p2 =	sgt.f32 @p1 s15, $0.0e+00;
	v5 =	vshll.u32 @!p0 v5, $0xE  }
0x2e: {  	v7 =	vlaneseq.u32 @!p0;
	v5 =	vadd.s32 @!p0 s14, v5  }
0x2f: {  	p1 =	por !p2, !p1;
	v5 =	vadd.s32 @!p0 v7, v5  }
0x30: {  	s15 =	sadd.s32 $0x10, s14;
	v6 =	vshll.u32 @!p1 v6, $0xE;
	(xrf1) =	vsort.ascd.msk.u32 @!p0 $0xffff, v5, v5  }
0x31: {  	v6 =	vadd.s32 @!p1 s15, v6;
	v5 =	vlaneseq.u32 @!p1  }
0x32: {  	v5 =	vadd.s32 @!p1 v5, v6  }
0x33: {  	(xrf1) =	vsort.ascd.msk.u32 @!p1 $0xffff, v5, v5;
	_ =	sdelay $0x5  }
0x34: {  	v6 =	vimm.s32 @!p0 $0x87654321;
	v5 =	vimm.s32 @!p0 $0xFFEDCBA9  }
0x35: {  	v6 =	vunpack.c.l.s4.s8 @!p0 v6;
	v5 =	vunpack.c.l.s4.s8 @!p0 v5  }
0x36: {  	v8 =	vimm.s32 @!p1 $0x87654321  }
0x37: {  	v7 =	vimm.s32 @!p1 $0xFFEDCBA9;
	v6 =	vunpack.c.0.s8.s32 @!p0 v6;
	v5 =	vunpack.c.0.s8.s32 @!p0 v5  }
0x38: {  	v8 =	vunpack.c.l.s4.s8 @!p1 v8;
	v7 =	vunpack.c.l.s4.s8 @!p1 v7  }
0x39: {  	v5 =	vcombine.low @!p0 v6, v5;
	v9, _, _ =	vpop @!p0 (xrf1)  }
0x3a: {  	v6 =	vunpack.c.0.s8.s32 @!p1 v7;
	v7 =	vunpack.c.0.s8.s32 @!p1 v8;
	v8 =	vshrl.u32 @!p0 v9, $0xE  }
0x3b: {  	v5 =	vperm.xlane @!p0 v8, v5  }
0x3c: {  	vm1 =	vcmask @!p0 $0x3F3C;
	v6 =	vcombine.low @!p1 v7, v6;
	v10, _, _ =	vpop @!p1 (xrf1)  }
0x3d: {  	v7 =	vsub.s32 @!p0 v8, v0;
	v11 =	vshrl.u32 @!p1 v10, $0xE;
	vm0 =	vne.s32 @!p0 v8, v5  }
0x3e: {  	v5 =	vperm.xlane @!p1 v11, v6;
	vm0 =	vmor @!p0 vm0, vm1;
	vm1 =	vlt.u32 @!p0 v7, $0xC35  }
0x3f: {  	vm0 =	vmand @!p0 vm1, vm0  }
0x40: {  	vm2 =	vne.s32 @!p1 v11, v5;
	v5 =	vnsel @!p0 vm0, $0x0, v7;
	_ =	sdelay $0x1  }
0x41: {  	vm3 =	vcmask @!p1 $0x3F3C;
	v6 =	vsub.s32 @!p1 v11, v0  }
0x42: {  	vm1 =	vmor @!p1 vm2, vm3;
	vm2 =	vlt.u32 @!p1 v6, $0xC35  }
0x43: {  	s14 =	sadd.s32 $0x20, s14;
	s15 =	simm.s32 @!p0 $0x4000;
	vm1 =	vmand @!p1 vm2, vm1  }
0x44: {  	v6 =	vnsel @!p1 vm1, $0x0, v6;
	[tilespmem:v5+s15+$0x0] =	vst.idx.msk @!p0 vm0, v9;
	p0 =	sne.s32 s14, $0x4000  }
.Ltmp1:
0x45: {  	_ = 	snop;
	(pc) =	sbr.rel @p0 .LBB2_4-.Ltmp1, $3  }
0x46: {  	_ =	sdelay $0x1  }
0x47: {  	s15 =	simm.s32 @!p1 $0x4000  }
0x48: {  	s13 =	sadd.s32 $0x20, s13;
	[tilespmem:v6+s15+$0x0] =	vst.idx.msk @!p1 vm1, v10  }
0x49: {  	s13 =	simm.s32 $0x0  }
0x4a: {  	v5 =	vld [tilespmem:s13+$0x4000];
	_ =	sdelay $0x4  }
0x4b: {  	vm0 =	vgt.s32 v5, $0xFFFFFFFF  }
0x4c: {  	v6 =	vsel vm0, $0x1, v3  }
0x4d: {  	(xrf0) =	vadd.scan.msk.s32 $0xffff, v6  }
0x4e: {  	v6 =	vshra.s32 v5, $0x1F  }
0x4f: {  	v6 =	vor.u32 v6, v5  }
0x50: {  	v6 =	vxor.u32 $0x80000000, v6;
	_ =	sdelay $0x2  }
0x51: {  	(xrf0) =	vmax.scan.msk.u32 $0xffff, v6;
	v6, _, _ =	vpop (xrf0)  }
0x52: {  	v7 =	vxor.u32 $0x80000000, v6  }
0x53: {  	(xrf0) =	vmax.scan.msk.u32 $0xffff, v7  }
0x54: {  	v7 =	vmov s12  }
0x55: {  	v7 =	vadd.s32 $0xFFFFFFFF, v7  }
0x56: {  	v7 =	vbroadcast v7, $0x0  }
0x57: {  	v8, _, _ =	vpop (xrf0)  }
0x58: {  	(v2sf) =	vpush v8, $0xF;
	v6 =	vadd.s32 v6, v7  }
0x59: {  	v6 =	vnsel vm0, $0x0, v6;
	v63, _, _ =	vpop (xrf0)  }
0x5a: {  	(v2sf) =	vpush v63, $0xF;
	_ =	sdelay $0x3  }
0x5b: {  	s30 =	simm.s32 $0x10;
	[tilespmem:v6+s8+$0x0] =	vst.idx.msk vm0, v5  }
0x5c: {  	v5 =	vld [tilespmem:s30+$0x4000];
	_ =	sdelay $0x4  }
0x5d: {  	vm0 =	vgt.s32 v5, $0xFFFFFFFF;
	v6 =	vshra.s32 v5, $0x1F  }
0x5e: {  	v7 =	vsel vm0, $0x1, v3;
	v6 =	vor.u32 v6, v5  }
0x5f: {  	v6 =	vxor.u32 $0x80000000, v6;
	(xrf0) =	vadd.scan.msk.s32 $0xffff, v7  }
0x60: {  	s31 =	spop (v2sf);
	(xrf0) =	vmax.scan.msk.u32 $0xffff, v6  }
0x61: {  	s13 =	sxor.u32 $0x80000000, s31  }
0x62: {  	s12 =	simm.s32 $0xFFFFFFFF;
	p0 =	slt.s32 s13, $0xFFFFFFFF;
	s14 =	spop (v2sf)  }
0x63: {  	s13 =	smov.u32 @p0 s12;
	s12 =	simm.s32 $0x80;
	s14 =	sadd.s32 $0x0, s14  }
.LBB2_6:
0x64: {  	s15 =	smov.u32 s13;
	p0 =	sne.s32 s12, $0x30C0  }
0x65: {  	s14 =	sadd.s32 $0x80000000, s14;
	s13 =	smov.u32 s12;
	s12 =	sadd.s32 $0x40, s12;
	v6, _, _ =	vpop (xrf0)  }
0x66: {  	v8 =	vmov s14;
	v7 =	vxor.u32 $0x80000000, v6;
	v9, _, _ =	vpop (xrf0)  }
0x67: {  	v8 =	vadd.s32 $0xFFFFFFFF, v8;
	(xrf0) =	vmax.scan.msk.u32 $0xffff, v7;
	(v2sf) =	vpush v9, $0xF  }
0x68: {  	v7 =	vbroadcast v8, $0x0;
	_ =	sdelay $0x1  }
0x69: {  	v6 =	vadd.s32 v6, v7  }
0x6a: {  	v6 =	vnsel vm0, $0x0, v6;
	_ =	sdelay $0x1  }
0x6b: {  	v7, _, _ =	vpop (xrf0)  }
0x6c: {  	(v2sf) =	vpush v7, $0xF;
	_ =	sdelay $0x1  }
0x6d: {  	[tilespmem:v6+s8+$0x0] =	vst.idx.msk vm0, v5  }
0x6e: {  	s13 =	sshra.s32 s13, $0x2  }
0x6f: {  	v5 =	vld [tilespmem:s13+$0x4000];
	_ =	sdelay $0x3  }
0x70: {  	s13 =	spop (v2sf)  }
0x71: {  	vm0 =	vgt.s32 v5, $0xFFFFFFFF;
	v6 =	vshra.s32 v5, $0x1F;
	s13 =	sxor.u32 $0x80000000, s13  }
0x72: {  	v7 =	vsel vm0, $0x1, v3;
	v6 =	vor.u32 v6, v5;
	p1 =	sgt.s32 s15, s13  }
0x73: {  	v6 =	vxor.u32 $0x80000000, v6;
	(xrf0) =	vadd.scan.msk.s32 $0xffff, v7;
	s13 =	smov.u32 @p1 s15  }
.Ltmp2:
0x74: {  	(xrf0) =	vmax.scan.msk.u32 $0xffff, v6;
	(pc) =	sbr.rel @p0 .LBB2_6-.Ltmp2, $3  }
0x75: {  	_ =	sdelay $0x1  }
0x76: {  	s15 =	spop (v2sf)  }
0x77: {  	s14 =	sadd.s32 s15, s14  }
0x78: {  	v6, _, _ =	vpop (xrf0)  }
0x79: {  	v7 =	vxor.u32 $0x80000000, v6  }
0x7a: {  	(xrf0) =	vmax.scan.msk.u32 $0xffff, v7;
	_ =	sdelay $0x4  }
0x7b: {  	v7, _, _ =	vpop (xrf0)  }
0x7c: {  	(v2sf) =	vpush v7, $0xF;
	v7, _, _ =	vpop (xrf0)  }
0x7d: {  	(v2sf) =	vpush v7, $0xF;
	_ =	sdelay $0xa  }
0x7e: {  	s12 =	sadd.s32 $0x80000000, s14  }
0x7f: {  	v7 =	vmov s12  }
0x80: {  	v7 =	vadd.s32 $0xFFFFFFFF, v7  }
0x81: {  	v7 =	vbroadcast v7, $0x0;
	s23 =	spop (v2sf)  }
0x82: {  	s15 =	spop (v2sf)  }
0x83: {  	v6 =	vadd.s32 v6, v7;
	s12 =	sadd.s32 s15, s12  }
0x84: {  	v6 =	vnsel vm0, $0x0, v6;
	s12 =	sadd.s32 $0x80000000, s12  }
0x85: {  	v7 =	vadd.s32 s12, v4;
	s24 =	sadd.s32 $0x10, s12  }
0x86: {  	s14 =	sxor.u32 $0x80000000, s23;
	s25 =	sadd.s32 $0x20, s12;
	v8 =	vadd.s32 s24, v4  }
0x87: {  	p0 =	sgt.s32 s13, s14;
	s26 =	sadd.s32 $0x30, s12;
	v9 =	vadd.s32 s25, v4  }
0x88: {  	s14 =	smov.u32 @p0 s13;
	s28 =	sadd.s32 $0x40, s12;
	v10 =	vadd.s32 s26, v4  }
0x89: {  	[tilespmem:v6+s8+$0x0] =	vst.idx.msk vm0, v5;
	v5 =	vmov s14;
	s29 =	sadd.s32 $0x50, s12;
	v6 =	vadd.s32 s28, v4  }
0x8a: {  	s30 =	sadd.s32 $0x60, s12;
	[tilespmem:v7+s8+$0x0] =	vst.idx.msk $0xffff, v5;
	v7 =	vadd.s32 s29, v4  }
0x8b: {  	s31 =	sadd.s32 $0x70, s12;
	v62 =	vadd.s32 s30, v4;
	[tilespmem:v8+s8+$0x0] =	vst.idx.msk $0xffff, v5  }
0x8c: {  	v63 =	vadd.s32 s31, v4;
	[tilespmem:v9+s8+$0x0] =	vst.idx.msk $0xffff, v5  }
0x8d: {  	[tilespmem:v10+s8+$0x0] =	vst.idx.msk $0xffff, v5  }
0x8e: {  	[tilespmem:v6+s8+$0x0] =	vst.idx.msk $0xffff, v5  }
0x8f: {  	[tilespmem:v7+s8+$0x0] =	vst.idx.msk $0xffff, v5  }
0x90: {  	[tilespmem:v62+s8+$0x0] =	vst.idx.msk $0xffff, v5  }
0x91: {  	v6 =	vmov s12;
	[tilespmem:v63+s8+$0x0] =	vst.idx.msk $0xffff, v5  }
0x92: {  	[tilespmem:$0x5910] =	vst v6  }
0x93: {  	[hbm4b:s4+s3] =	stream.linear.scatter [tilespmem:s8], [sflag:$0x2], $0xCD0, $0x38;
	[tilespmem:$0x5920] =	vst v63  }
0x94: {  	s11 =	sadd.s32 $0x1, s11;
	_ =	swait.ge [sflag:s9], $0xCD0  }
0x95: {  	p0 =	sne.s32 s11, s6;
	[sflag:s9] =	ssyncset.done $0x0  }
.Ltmp3:
0x96: {  	[sflag:s9] =	ssyncadd.s32 $0xFFFFF330;
	(pc) =	sbr.rel @p0 .LBB2_1-.Ltmp3, $4  }
0x97: {  	[hbm4b:s5+s3] =	stream.linear.scatter [tilespmem:s10], [sflag:$0x2], $0x10, $0x38;
	[tilespmem:$0x5920] =	vst v63  }
0x98: {  	_ =	swait.ge [sflag:s9], $0x10  }
0x99: {  	[sflag:s9] =	ssyncset.done $0x0  }
0x9a: {  	[sflag:s9] =	ssyncadd.s32 $0xFFFFFFF0  }
0x9b: {  	_ =	sfence.sel $0x180000  }
0x9c: {  	[bflag:$0x0] =	sbarrier.arrive $0xFFFF  }
0x9d: {  	p0 =	sne.s32 s0, $0x0;
	_ =	strace $0x90000047  }
0x9e: {  	s0 =	sadd.s32 @!p0 $0x100000, s1;
	[bflag:$0x2] =	sbarrier.arrive $0xFFFF  }
0x9f: {  	[sflag:s0] =	ssyncadd.tile.s32 @!p0 $0x1;
	_ =	shalt  }
.Lfunc_end2:
_tile_overlayer_lowered:
.L_overlay_start_2:
0xa0: {  	(tag) =	ssettag $0x2  }
0xa1: {  	s0 =	rddreg [dreg:$0x0];
	s2 =	stileid.u32  }
0xa2: {  	s1 =	rddreg [dreg:$0x1];
	p0 =	sne.s32 s2, $0x0  }
0xa3: {  	s3 =	rddreg [dreg:$0x2];
	[bflag:$0x3] =	sbarrier.arrive $0xFFFF;
	s2 =	simm.s32 @!p0 $0x1C02  }
0xa4: {  	[timem:s3], [sflag:s2] =	dma.local @!p0 [hbm:s0], s1  }
0xa5: {  	s0 =	simm.s32 @!p0 $0x2  }
0xa6: {  	_ =	swait.ge @!p0 [sflag:s0], s1  }
0xa7: {  	s1 =	ssub.s32 @!p0 $0x0, s1;
	[sflag:s0] =	ssyncset.done @!p0 $0x0  }
0xa8: {  	[sflag:s0] =	ssyncadd.s32 @!p0 s1  }
0xa9: {  	[bflag:$0x3] =	sbarrier.arrive $0xFFFF  }
0xaa: {  	_ =	shalt  }

// kernel: kernel.8.cloned.1.call-start
scs
__scs_entry_jumppad:
0x0: {  	(pc) =	sbr.rel $0x88, $3  }
0x1: {  	(tag) =	ssettag $0x0;
	lr =	simm.s32 $0x1  }
0x2: {  	[smem:$0x3F9E] =	sst lr;
	_ =	strace $0xD0000000  }
0x3: {  	_ = 	snop  }
0x4: {  	_ = 	snop  }
0x5: {  	_ = 	snop  }
0x6: {  	_ = 	snop  }
0x7: {  	_ = 	snop  }
__scs_overlays_trampoline_lowered:
0x8: {  	[smem:$0x3FAD] =	sst s0  }
0x9: {  	[smem:$0x3FAE] =	sst s1  }
0xa: {  	[smem:$0x3FAF] =	sst s2  }
0xb: {  	[smem:$0x3FB0] =	sst s3  }
0xc: {  	[smem:$0x3FB1] =	sst s4  }
0xd: {  	[smem:$0x3FB2] =	sst s5  }
0xe: {  	[smem:$0x3FB3] =	sst s6  }
0xf: {  	[smem:$0x3FB4] =	sst s7  }
0x10: {  	[smem:$0x3FB5] =	sst s8  }
0x11: {  	[smem:$0x3FB6] =	sst s9;
	s0 =	simm.s32 @!p0 $0x0  }
0x12: {  	s1 =	sld [smem:$0x3F9C];
	s0 =	simm.s32 @p0 $0x1  }
0x13: {  	[smem:$0x3FB7] =	sst s0;
	s0 =	simm.s32 @!p1 $0x0  }
0x14: {  	s2 =	sld [smem:$0x3F9B];
	s0 =	simm.s32 @p1 $0x1  }
0x15: {  	[smem:$0x3FB8] =	sst s0;
	s0 =	simm.s32 @!p2 $0x0  }
0x16: {  	s3 =	sld [smem:$0x3FDB];
	s0 =	simm.s32 @p2 $0x1  }
0x17: {  	s4 =	simm.s32 $0x1BF5;
	[smem:$0x3FBA] =	sst s0  }
0x18: {  	s0 =	sld [smem:$0x3F9D];
	_ =	swait.ge [sflag:s4], $0x0  }
0x19: {  	s7 =	sld [smem:$0x3F9E]  }
0x1a: {  	s8 =	sadd.s32 $0xFFFFE003, lr  }
0x1b: {  	s9 =	sadd.s32 $0xFFFFFEF7, lr;
	s5 =	simm.s32 $0xFFFFFFFF;
	p2 =	slt.u32 s8, $0xFFFFF086  }
0x1c: {  	p1 =	slt.u32 s9, $0xF7A;
	s5 =	simm.s32 @!p2 $0x0  }
0x1d: {  	s5 =	simm.s32 @p1 $0x1;
	p0 =	seq.s32 s7, s2  }
0x1e: {  	s7 =	smul.u32 @!p0 $0xF7A, s2;
	p2 =	seq.s32 @!p0 s5, $0x0  }
0x1f: {  	s9 =	smul.u32 $0xF7A, s1;
	s8 =	simm.s32 @!p0 $0x1BF5;
	p2 =	por !p2, p0  }
0x20: {  	[sflag:s8] =	ssyncset.s32 @!p0 $0xFFFFF086;
	s6 =	sadd.s32 @!p0 s3, s7;
	s7 =	simm.s32 @!p0 $0x108  }
0x21: {  	s3 =	sadd.s32 s3, s9;
	s6 =	sadd.s32 @!p0 $0x88, s6;
	s7 =	simm.s32 @p2 $0x1082  }
0x22: {  	[simem:s7], [sflag:s8] =	dma.local @!p0 [hbm:s6], $0xF7A  }
0x23: {  	s9 =	sor.u32 $0xD0000000, s2;
	s6 =	simm.s32 $0x108;
	_ =	swait.ge @!p0 [sflag:s8], $0x0  }
0x24: {  	s3 =	sadd.s32 $0x88, s3;
	s6 =	simm.s32 @!p1 $0x1082;
	[sflag:s4] =	ssyncset.s32 $0xFFFFF086  }
0x25: {  	[simem:s6], [sflag:s4] =	dma.local [hbm:s3], $0xF7A  }
0x26: {  	[smem:$0x3F9E] =	sst s1;
	(tag) =	ssettag s2;
	_ =	strace s9  }
0x27: {  	s1 =	sld [smem:$0x3FAE]  }
0x28: {  	s2 =	sld [smem:$0x3FAF]  }
0x29: {  	s4 =	sld [smem:$0x3FB1]  }
0x2a: {  	p0 =	seq.s32 s5, $0x0;
	s5 =	sld [smem:$0x3FB2]  }
0x2b: {  	s6 =	sld [smem:$0x3FB3]  }
0x2c: {  	s7 =	sld [smem:$0x3FB4]  }
0x2d: {  	s3 =	simm.s32 $0x108;
	s8 =	sld [smem:$0x3FB5]  }
0x2e: {  	s3 =	simm.s32 @!p0 $0x1082;
	s9 =	sld [smem:$0x3FB6]  }
0x2f: {  	lr =	sadd.s32 s0, s3;
	s0 =	sld [smem:$0x3FAD]  }
0x30: {  	s3 =	sld [smem:$0x3FB0]  }
0x31: {  	[smem:$0x3FB9] =	sst s10  }
0x32: {  	s10 =	sld [smem:$0x3FB7];
	_ =	sdelay $0x3  }
0x33: {  	p0 =	seq.s32 s10, $0x1;
	s10 =	sld [smem:$0x3FB9];
	_ =	sdelay $0x3  }
0x34: {  	[smem:$0x3FB9] =	sst s10  }
0x35: {  	s10 =	sld [smem:$0x3FB8];
	_ =	sdelay $0x3  }
0x36: {  	p1 =	seq.s32 s10, $0x1;
	s10 =	sld [smem:$0x3FB9];
	_ =	sdelay $0x3  }
0x37: {  	[smem:$0x3FB9] =	sst s10  }
0x38: {  	s10 =	sld [smem:$0x3FBA]  }
0x39: {  	_ = 	snop;
	(pc) =	sbr.ind lr, $3  }
0x3a: {  	_ = 	snop  }
0x3b: {  	_ = 	snop  }
0x3c: {  	p2 =	seq.s32 s10, $0x1;
	s10 =	sld [smem:$0x3FB9]  }
0x3d: {  	_ =	shalt  }
0x3e: {  	_ =	shalt  }
0x3f: {  	_ =	shalt  }
0x40: {  	_ =	shalt  }
0x41: {  	_ =	shalt  }
0x42: {  	_ =	shalt  }
0x43: {  	_ =	shalt  }
0x44: {  	_ =	shalt  }
0x45: {  	_ =	shalt  }
0x46: {  	_ =	shalt  }
0x47: {  	_ =	shalt  }
0x48: {  	_ =	shalt  }
0x49: {  	_ =	shalt  }
0x4a: {  	_ =	shalt  }
0x4b: {  	_ =	shalt  }
0x4c: {  	_ =	shalt  }
0x4d: {  	_ =	shalt  }
0x4e: {  	_ =	shalt  }
0x4f: {  	_ =	shalt  }
0x50: {  	_ =	shalt  }
0x51: {  	_ =	shalt  }
0x52: {  	_ =	shalt  }
0x53: {  	_ =	shalt  }
0x54: {  	_ =	shalt  }
0x55: {  	_ =	shalt  }
0x56: {  	_ =	shalt  }
0x57: {  	_ =	shalt  }
0x58: {  	_ =	shalt  }
0x59: {  	_ =	shalt  }
0x5a: {  	_ =	shalt  }
0x5b: {  	_ =	shalt  }
0x5c: {  	_ =	shalt  }
0x5d: {  	_ =	shalt  }
0x5e: {  	_ =	shalt  }
0x5f: {  	_ =	shalt  }
0x60: {  	_ =	shalt  }
0x61: {  	_ =	shalt  }
0x62: {  	_ =	shalt  }
0x63: {  	_ =	shalt  }
0x64: {  	_ =	shalt  }
0x65: {  	_ =	shalt  }
0x66: {  	_ =	shalt  }
0x67: {  	_ =	shalt  }
0x68: {  	_ =	shalt  }
0x69: {  	_ =	shalt  }
0x6a: {  	_ =	shalt  }
0x6b: {  	_ =	shalt  }
0x6c: {  	_ =	shalt  }
0x6d: {  	_ =	shalt  }
0x6e: {  	_ =	shalt  }
0x6f: {  	_ =	shalt  }
0x70: {  	_ =	shalt  }
0x71: {  	_ =	shalt  }
0x72: {  	_ =	shalt  }
0x73: {  	_ =	shalt  }
0x74: {  	_ =	shalt  }
0x75: {  	_ =	shalt  }
0x76: {  	_ =	shalt  }
0x77: {  	_ =	shalt  }
0x78: {  	_ =	shalt  }
0x79: {  	_ =	shalt  }
0x7a: {  	_ =	shalt  }
0x7b: {  	_ =	shalt  }
0x7c: {  	_ =	shalt  }
0x7d: {  	_ =	shalt  }
0x7e: {  	_ =	shalt  }
0x7f: {  	_ =	shalt  }
0x80: {  	_ =	shalt  }
0x81: {  	_ =	shalt  }
0x82: {  	_ =	shalt  }
0x83: {  	_ =	shalt  }
0x84: {  	_ =	shalt  }
0x85: {  	_ =	shalt  }
0x86: {  	_ =	shalt  }
0x87: {  	_ =	shalt  }
.Lfunc_end0:
.L_simem_size_0:
called_computation.1_lowered:
.L_overlay_start_0:
0x88: {  	s2 =	sld [smem:$0x3FD9]  }
0x89: {  	s3 =	sld [smem:$0x3FFE];
	_ =	sdelay $0x1  }
0x8a: {  	s1 =	srdreg.scid  }
0x8b: {  	s0 =	sand.u32 $0x1, s1  }
0x8c: {  	s17 =	sshll.u32 s0, $0xA;
	s2 =	sadd.s32 s3, s2  }
0x8d: {  	s2 =	sadd.s32 s2, s17  }
0x8e: {  	[smem:$0x3FC5] =	sst s2  }
0x8f: {  	_ = 	snop  }
0x90: {  	s2 =	sld [smem:$0x3FC7]  }
0x91: {  	s18 =	sld [smem:$0x3FD0];
	(tm) =	ssettm $0x1  }
0x92: {  	s4 =	sld [smem:$0x3FFB];
	_ =	sdelay $0x3  }
0x93: {  	_ =	strace s4  }
0x94: {  	s4 =	sld [smem:$0x3FFC];
	_ =	sdelay $0x3  }
0x95: {  	_ =	strace s4  }
0x96: {  	s4 =	sld [smem:$0x3FFD];
	_ =	sdelay $0x3  }
0x97: {  	_ =	strace s4  }
0x98: {  	_ =	strace $0x8FFFFFFF  }
0x99: {  	s19 =	sld [smem:$0x3FDB];
	_ =	sdelay $0x1  }
0x9a: {  	s5 =	simm.s32 $_scs_section_size  }
0x9b: {  	s6 =	simm.s32 $_size__tile_overlayer_lowered;
	s7 =	simm.s32 $_tile_overlayer_lowered  }
0x9c: {  	s22 =	simm.s32 $0x1BFF;
	s21 =	sshll.u32 s7, $0x1;
	s4 =	sadd.s32 s5, s19  }
0x9d: {  	s8 =	simm.s32 $0x0;
	s20 =	sshll.u32 s6, $0x1;
	s6 =	sadd.s32 s21, s4  }
0x9e: {  	[timem:s8], [sflag:s22] =	dma.local [hbm:s6], s20  }
0x9f: {  	_ =	swait.ge [sflag:s22], s20  }
0xa0: {  	s5 =	ssub.s32 $0x0, s20;
	[sflag:s22] =	ssyncset.done $0x0  }
0xa1: {  	[sflag:s22] =	ssyncadd.s32 s5;
	_ =	sdelay $0x1  }
0xa2: {  	s23 =	simm.s32 $0x1B8B  }
0xa3: {  	_ =	swait.ge [sflag:s23], $0x1  }
0xa4: {  	[sflag:s23] =	ssyncset.done $0x0  }
0xa5: {  	s25 =	simm.s32 $0x1B8E;
	s24 =	sld [smem:$0x3FFE];
	[sflag:s23] =	ssyncadd.s32 $0xFFFFFFFF  }
0xa6: {  	s26 =	simm.s32 $execute0_lowered;
	[smem:$0x3FD2] =	sst s25  }
0xa7: {  	s6 =	sshll.u32 s26, $0x1;
	_ =	strace $0x80000049;
	[dreg:$0x1] =	wrdreg $0xFFFFFFFF  }
0xa8: {  	s28 =	simm.s32 $_size_execute0_lowered;
	s4 =	sadd.s32 s4, s6;
	[dreg:$0x0] =	wrdreg $0x0  }
0xa9: {  	s6 =	sshll.u32 s28, $0x1;
	[dreg:$0x2] =	wrdreg s4  }
0xaa: {  	[dreg:$0x3] =	wrdreg s6  }
0xab: {  	[dreg:$0x4] =	wrdreg $0xC0  }
0xac: {  	_ =	task [dreg:s8], $0x5FFFF  }
0xad: {  	[dreg:$0x1] =	wrdreg $0xFFFFFFFF  }
0xae: {  	[dreg:$0x0] =	wrdreg $0x60  }
0xaf: {  	[dreg:$0x2] =	wrdreg s24  }
0xb0: {  	[dreg:$0x3] =	wrdreg s2  }
0xb1: {  	[dreg:$0x4] =	wrdreg s18  }
0xb2: {  	[dreg:$0x5] =	wrdreg $0x9  }
0xb3: {  	_ =	task.clear_ibuf [dreg:s8], $0x6FFFF;
	_ =	strace $0x90000049  }
0xb4: {  	s29 =	simm.s32 $0x9;
	_ =	strace $0x8000004B  }
0xb5: {  	_ =	swait.ge [sflag:s29], $0x1  }
0xb6: {  	[sflag:s29] =	ssyncadd.s32 $0xFFFFFFFF  }
0xb7: {  	_ =	strace $0x9000004B  }
0xb8: {  	_ =	sfence  }
0xb9: {  	s30 =	sld [smem:$0x0];
	_ =	sdelay $0x2  }
0xba: {  	s31 =	sshll.u32 s1, $0xD;
	s1 =	sshrl.u32 s1, $0x2  }
0xbb: {  	s3 =	sand.u32 $0x4000, s31;
	s1 =	sadd.s32 s1, s30  }
0xbc: {  	s0 =	sor.u32 s3, s0;
	s1 =	sshll.u32 s1, $0x11  }
0xbd: {  	s0 =	sor.u32 s1, s0  }
0xbe: {  	s0 =	sadd.s32 $0x8F2B, s0  }
0xbf: {  	[sflag:s0] =	ssyncadd.remote.s32 $0x1  }
0xc0: {  	_ =	sfence.sel $0xFFFF  }
0xc1: {  	[dreg:$0x0] =	wrdreg $0xFFFFFFFF;
	(pc) =	sbr.abs _section_cstart, $3  }
0xc2: {  	[dreg:$0x1] =	wrdreg $0xFFFFFFFF  }
0xc3: {  	_ =	task.clear_ibuf [dreg:s8], $0x2FFFF;
	_ =	strace $0x9FFFFFFF  }
0xc4: {  	(tm) =	ssettm $0x7FFFFFFF  }
0xc5: {  	_ =	shalt  }
tec
execute0_lowered:
.L_overlay_start_1:
0x0: {  	(tag) =	ssettag $0x1  }
0x1: {  	s5 =	rddreg [dreg:$0x0]  }
0x2: {  	s2 =	rddreg [dreg:$0x1];
	s1 =	srdreg.scid  }
0x3: {  	s0 =	stileid.u32;
	s3 =	rddreg [dreg:$0x2]  }
0x4: {  	s4 =	simm.s32 $0x0;
	s10 =	simm.s32 $0x1;
	s11 =	simm.s32 $0xDE0  }
0x5: {  	s12 =	simm.s32 $0xEE0;
	s13 =	simm.s32 $0x2;
	s14 =	simm.s32 $0x80  }
0x6: {  	s15 =	simm.s32 $0x3;
	s6 =	sand.u32 $0x1, s1;
	s1 =	rddreg [dreg:$0x3]  }
0x7: {  	s16 =	simm.s32 $0x0;
	s7 =	sshll.u32 s0, $0x1;
	[smem:$0x7FF] =	sst s4  }
.Ltmp0:
0x8: {  	s7 =	sor.u32 s6, s7;
	s6 =	ssub.s32 $0x2, s6;
	(pc) =	sbr.rel .LBB2_1-.Ltmp0, $4  }
0x9: {  	s8 =	smul.u32 $0x19A, s7;
	s7 =	sshll.u32 s7, $0x1;
	s9 =	sshrl.u32 s6, $0x1  }
0xa: {  	_ =	strace $0x8000004A;
	s7 =	sadd.s32 s7, s5;
	s9 =	ssub.s32 s6, s9  }
0xb: {  	s8 =	sadd.s32 s8, s5;
	s6 =	sadd.s32 $0x4000, s7;
	s7 =	smax.u32 s9, $0x1  }
0xc: {  	s9 =	simm.s32 $0x4;
	s5 =	sadd.s32 $0xC00, s8;
	s8 =	simm.s32 $0xCD0  }
.LBB2_4:
0xd: {  	v1 =	vshrl.u32 @!p0 v0, $0xE  }
0xe: {  	v0 =	vand.u32 @!p0 $0x3FFF, v0;
	[tilespmem:s21+$0xD50] =	vst @!p0 v1  }
0xf: {  	[tilespmem:s21+$0xE50] =	vst @!p0 v0  }
0x10: {  	_ =	swait.ge @!p2 [sflag:s24], $0x4000  }
0x11: {  	[sflag:s24] =	ssyncset.done @!p2 $0x0  }
0x12: {  	[sflag:s24] =	ssyncadd.s32 @!p2 $0xFFFFC000  }
0x13: {  	[tilespmem:s22], [sflag:$0x2] =	stream.indirect.gather @!p0 [hbm4b:s2+s25], $0x80, s23, s25, $0xb8;
	[tilespmem:$0x8EE0] =	vst v63  }
0x14: {  	p0 =	seq.s32 s17, $0x1  }
0x15: {  	s17 =	simm.s32 @!p0 $0x3  }
0x16: {  	_ =	swait.ge @!p0 [sflag:s17], $0x4000  }
0x17: {  	[sflag:s17] =	ssyncset.done @!p0 $0x0  }
0x18: {  	[sflag:s17] =	ssyncadd.s32 @!p0 $0xFFFFC000  }
0x19: {  	_ =	swait.ge [sflag:s15], $0x4000  }
0x1a: {  	[sflag:s15] =	ssyncset.done $0x0  }
0x1b: {  	[sflag:s15] =	ssyncadd.s32 $0xFFFFC000  }
.LBB2_5:
0x1c: {  	s16 =	sadd.s32 $0x1, s16  }
0x1d: {  	p0 =	sne.s32 s16, s7  }
.Ltmp1:
0x1e: {  	_ = 	snop;
	(pc) =	sbr.rel @!p0 .LBB2_6-.Ltmp1, $1  }
0x1f: {  	_ =	sdelay $0x3  }
.LBB2_1:
0x20: {  	[tilespmem:s4], [sflag:$0x1] =	stream.linear.gather [hbm4b:s5+s4], $0xCD0, $0x38;
	[tilespmem:$0x8EE0] =	vst v63  }
0x21: {  	_ = 	snop  }
0x22: {  	[tilespmem:s8], [sflag:$0x4] =	stream.linear.gather [hbm4b:s6+s4], $0x10, $0x38;
	[tilespmem:$0x8EE0] =	vst v63  }
0x23: {  	_ =	swait.ge [sflag:s9], $0x10  }
0x24: {  	[sflag:s9] =	ssyncset.done $0x0  }
0x25: {  	[sflag:s9] =	ssyncadd.s32 $0xFFFFFFF0  }
0x26: {  	v0 =	vld [tilespmem:$0xCD0];
	_ =	sdelay $0x4  }
0x27: {  	v0 =	vxor.u32 $0x80000000, v0  }
0x28: {  	(xrf0) =	vmax.scan.msk.u32 $0xffff, v0;
	_ =	sdelay $0x5  }
0x29: {  	v0, _, _ =	vpop (xrf0)  }
0x2a: {  	(v2sf) =	vpush v0, $0xF;
	_ =	sdelay $0xe  }
0x2b: {  	s17 =	spop (v2sf)  }
0x2c: {  	s17 =	sadd.s32 $0x8000007F, s17  }
0x2d: {  	s18 =	sand.u32 $0x7F, s17  }
0x2e: {  	s31 =	sshra.s32 s17, $0x1F;
	p1 =	slt.s32 s17, $0x1;
	p0 =	sne.s32 s18, $0x0  }
0x2f: {  	s18 =	sshrl.u32 s31, $0x19;
	p0 =	por !p1, !p0  }
0x30: {  	s17 =	sadd.s32 s18, s17;
	s18 =	simm.s32 $0x1;
	p0 =	por !p0, !p0  }
0x31: {  	s17 =	sshra.s32 s17, $0x7;
	s18 =	simm.s32 @!p0 $0x0  }
0x32: {  	s17 =	ssub.s32 s17, s18  }
0x33: {  	p0 =	slt.s32 s17, $0x1  }
.Ltmp2:
0x34: {  	_ = 	snop;
	(pc) =	sbr.rel @p0 .LBB2_5-.Ltmp2, $4  }
0x35: {  	_ = 	snop  }
0x36: {  	_ =	swait.ge [sflag:s10], $0xCD0  }
0x37: {  	[sflag:s10] =	ssyncset.done $0x0  }
0x38: {  	[sflag:s10] =	ssyncadd.s32 $0xFFFFF330  }
0x39: {  	v0 =	vld [tilespmem:$0x0];
	_ =	sdelay $0x1  }
0x3a: {  	v1 =	vld [tilespmem:$0x10];
	_ =	sdelay $0x1  }
0x3b: {  	v2 =	vld [tilespmem:$0x20]  }
0x3c: {  	v3 =	vshrl.u32 v0, $0xE  }
0x3d: {  	v0 =	vand.u32 $0x3FFF, v0;
	[tilespmem:$0xCE0] =	vst v3;
	v3 =	vld [tilespmem:$0x30]  }
0x3e: {  	[tilespmem:$0xDE0] =	vst v0;
	v0 =	vshrl.u32 v1, $0xE  }
0x3f: {  	[tilespmem:$0xCF0] =	vst v0;
	v0 =	vand.u32 $0x3FFF, v1;
	v1 =	vld [tilespmem:$0x40]  }
0x40: {  	[tilespmem:$0xDF0] =	vst v0;
	v0 =	vshrl.u32 v2, $0xE  }
0x41: {  	[tilespmem:$0xD00] =	vst v0;
	v0 =	vand.u32 $0x3FFF, v2;
	v2 =	vld [tilespmem:$0x50]  }
0x42: {  	[tilespmem:$0xE00] =	vst v0;
	v0 =	vshrl.u32 v3, $0xE  }
0x43: {  	[tilespmem:$0xD10] =	vst v0;
	v0 =	vand.u32 $0x3FFF, v3;
	v3 =	vld [tilespmem:$0x60]  }
0x44: {  	[tilespmem:$0xE10] =	vst v0;
	v0 =	vshrl.u32 v1, $0xE  }
0x45: {  	[tilespmem:$0xD20] =	vst v0;
	v0 =	vand.u32 $0x3FFF, v1;
	v1 =	vld [tilespmem:$0x70]  }
0x46: {  	[tilespmem:$0xE20] =	vst v0;
	v0 =	vshrl.u32 v2, $0xE  }
0x47: {  	[tilespmem:$0xD30] =	vst v0;
	v0 =	vand.u32 $0x3FFF, v2  }
0x48: {  	[tilespmem:$0xE30] =	vst v0;
	v0 =	vshrl.u32 v3, $0xE  }
0x49: {  	[tilespmem:$0xD40] =	vst v0;
	v0 =	vand.u32 $0x3FFF, v3  }
0x4a: {  	[tilespmem:$0xE40] =	vst v0;
	v0 =	vshrl.u32 v1, $0xE  }
0x4b: {  	[tilespmem:$0xD50] =	vst v0;
	v0 =	vand.u32 $0x3FFF, v1  }
0x4c: {  	s18 =	simm.s32 $0x80;
	s20 =	simm.s32 $0x0;
	s19 =	simm.s32 $0xF0;
	[tilespmem:$0xE50] =	vst v0  }
0x4d: {  	[tilespmem:s12], [sflag:$0x2] =	stream.indirect.gather [hbm4b:s2+s18], $0x80, s11, s18, $0xb8;
	[tilespmem:$0x8EE0] =	vst v63  }
0x4e: {  	p0 =	sle.s32 s17, $0x1;
	s22 =	sand.u32 $0x1, s20;
	_ =	swait.ge [sflag:s13], $0x4000  }
0x4f: {  	s20 =	sshll.u32 s22, $0xE;
	s21 =	sshll.u32 s22, $0x7;
	[sflag:s13] =	ssyncset.done $0x0  }
0x50: {  	s20 =	sor.u32 $0xEE0, s20;
	s21 =	sadd.s32 $0xCE0, s21;
	[sflag:s13] =	ssyncadd.s32 $0xFFFFC000  }
0x51: {  	[hbm4b:s3+s14] =	stream.indirect.scatter [tilespmem:s20], [sflag:$0x3], $0x80, s21, s14, $0xb8;
	[tilespmem:$0x8EE0] =	vst v63  }
0x52: {  	v0 =	vld @!p0 [tilespmem:s19+$0xFFFFFF90];
	_ =	sdelay $0x4  }
0x53: {  	s21 =	sand.u32 @!p0 $0x80, s18;
	v1 =	vshrl.u32 @!p0 v0, $0xE  }
0x54: {  	v0 =	vand.u32 @!p0 $0x3FFF, v0;
	[tilespmem:s21+$0xCE0] =	vst @!p0 v1  }
0x55: {  	[tilespmem:s21+$0xDE0] =	vst @!p0 v0  }
0x56: {  	v0 =	vld @!p0 [tilespmem:s19+$0xFFFFFFA0];
	_ =	sdelay $0x4  }
0x57: {  	v1 =	vshrl.u32 @!p0 v0, $0xE  }
0x58: {  	v0 =	vand.u32 @!p0 $0x3FFF, v0;
	[tilespmem:s21+$0xCF0] =	vst @!p0 v1  }
0x59: {  	[tilespmem:s21+$0xDF0] =	vst @!p0 v0  }
0x5a: {  	v0 =	vld @!p0 [tilespmem:s19+$0xFFFFFFB0];
	_ =	sdelay $0x4  }
0x5b: {  	v1 =	vshrl.u32 @!p0 v0, $0xE  }
0x5c: {  	v0 =	vand.u32 @!p0 $0x3FFF, v0;
	[tilespmem:s21+$0xD00] =	vst @!p0 v1  }
0x5d: {  	[tilespmem:s21+$0xE00] =	vst @!p0 v0  }
0x5e: {  	v0 =	vld @!p0 [tilespmem:s19+$0xFFFFFFC0];
	_ =	sdelay $0x4  }
0x5f: {  	v1 =	vshrl.u32 @!p0 v0, $0xE  }
0x60: {  	v0 =	vand.u32 @!p0 $0x3FFF, v0;
	[tilespmem:s21+$0xD10] =	vst @!p0 v1  }
0x61: {  	[tilespmem:s21+$0xE10] =	vst @!p0 v0  }
0x62: {  	v0 =	vld @!p0 [tilespmem:s19+$0xFFFFFFD0];
	_ =	sdelay $0x4  }
0x63: {  	v1 =	vshrl.u32 @!p0 v0, $0xE  }
0x64: {  	v0 =	vand.u32 @!p0 $0x3FFF, v0;
	[tilespmem:s21+$0xD20] =	vst @!p0 v1  }
0x65: {  	[tilespmem:s21+$0xE20] =	vst @!p0 v0  }
0x66: {  	v0 =	vld @!p0 [tilespmem:s19+$0xFFFFFFE0];
	_ =	sdelay $0x4  }
0x67: {  	v1 =	vshrl.u32 @!p0 v0, $0xE  }
0x68: {  	v0 =	vand.u32 @!p0 $0x3FFF, v0;
	[tilespmem:s21+$0xD30] =	vst @!p0 v1  }
0x69: {  	[tilespmem:s21+$0xE30] =	vst @!p0 v0  }
0x6a: {  	v0 =	vld @!p0 [tilespmem:s19+$0xFFFFFFF0];
	_ =	sdelay $0x4  }
0x6b: {  	v1 =	vshrl.u32 @!p0 v0, $0xE  }
0x6c: {  	v0 =	vand.u32 @!p0 $0x3FFF, v0;
	[tilespmem:s21+$0xD40] =	vst @!p0 v1  }
0x6d: {  	p1 =	sne.s32 s17, $0x1;
	[tilespmem:s21+$0xE40] =	vst @!p0 v0  }
.Ltmp3:
0x6e: {  	v0 =	vld @!p0 [tilespmem:s19+$0x0];
	(pc) =	sbr.rel @!p1 .LBB2_4-.Ltmp3, $4  }
0x6f: {  	s22 =	sxor.u32 @!p0 $0x1, s22  }
0x70: {  	p2 =	por @!p0 $0x1, $0x1;
	s25 =	simm.s32 @!p0 $0x80;
	s23 =	sshll.u32 @!p0 s22, $0xE  }
0x71: {  	p2 =	por p2, p0;
	s24 =	sshll.u32 @!p0 s22, $0x7;
	s22 =	sor.u32 @!p0 $0xEE0, s23  }
0x72: {  	s23 =	sadd.s32 @!p0 $0xDE0, s24;
	s24 =	simm.s32 @!p2 $0x3;
	s20 =	simm.s32 $0x1  }
.LBB2_3:
0x73: {  	s18 =	sadd.s32 $0x80, s18  }
0x74: {  	s19 =	sadd.s32 $0x80, s19;
	s26 =	smov.u32 s20;
	s20 =	sadd.s32 $0x1, s20  }
0x75: {  	p1 =	sne.s32 s17, s20  }
0x76: {  	v1 =	vshrl.u32 @!p0 v0, $0xE;
	v0 =	vand.u32 @!p0 $0x3FFF, v0  }
0x77: {  	[tilespmem:s21+$0xD50] =	vst @!p0 v1  }
0x78: {  	[tilespmem:s21+$0xE50] =	vst @!p0 v0  }
0x79: {  	_ =	swait.ge @!p2 [sflag:s24], $0x4000  }
0x7a: {  	[sflag:s24] =	ssyncset.done @!p2 $0x0  }
0x7b: {  	[sflag:s24] =	ssyncadd.s32 @!p2 $0xFFFFC000  }
0x7c: {  	[tilespmem:s22], [sflag:$0x2] =	stream.indirect.gather @!p0 [hbm4b:s2+s25], $0x80, s23, s25, $0xb8;
	[tilespmem:$0x8EE0] =	vst v63  }
0x7d: {  	s21 =	sand.u32 $0x1, s26;
	p0 =	sge.s32 s20, s17;
	_ =	swait.ge [sflag:s13], $0x4000  }
0x7e: {  	s22 =	sshll.u32 s21, $0xE;
	s23 =	sshll.u32 s21, $0x7;
	[sflag:s13] =	ssyncset.done $0x0  }
0x7f: {  	s22 =	sor.u32 $0xEE0, s22;
	s23 =	sadd.s32 $0xCE0, s23;
	[sflag:s13] =	ssyncadd.s32 $0xFFFFC000  }
0x80: {  	[hbm4b:s3+s14] =	stream.indirect.scatter [tilespmem:s22], [sflag:$0x3], $0x80, s23, s14, $0xb8;
	[tilespmem:$0x8EE0] =	vst v63  }
0x81: {  	p2 =	seq.s32 @!p0 s18, $0x80;
	s21 =	sxor.u32 @!p0 $0x1, s21;
	v0 =	vld @!p0 [tilespmem:s19+$0xFFFFFF90]  }
0x82: {  	s22 =	sshll.u32 @!p0 s21, $0xE;
	s21 =	sshll.u32 @!p0 s21, $0x7  }
0x83: {  	s22 =	sor.u32 @!p0 $0xEE0, s22;
	s23 =	sadd.s32 @!p0 $0xDE0, s21;
	_ =	sdelay $0x2  }
0x84: {  	s21 =	sand.u32 @!p0 $0x80, s18;
	v1 =	vshrl.u32 @!p0 v0, $0xE;
	v0 =	vand.u32 @!p0 $0x3FFF, v0  }
0x85: {  	[tilespmem:s21+$0xCE0] =	vst @!p0 v1  }
0x86: {  	[tilespmem:s21+$0xDE0] =	vst @!p0 v0  }
0x87: {  	v0 =	vld @!p0 [tilespmem:s19+$0xFFFFFFA0];
	_ =	sdelay $0x4  }
0x88: {  	v1 =	vshrl.u32 @!p0 v0, $0xE;
	v0 =	vand.u32 @!p0 $0x3FFF, v0  }
0x89: {  	[tilespmem:s21+$0xCF0] =	vst @!p0 v1  }
0x8a: {  	[tilespmem:s21+$0xDF0] =	vst @!p0 v0  }
0x8b: {  	v0 =	vld @!p0 [tilespmem:s19+$0xFFFFFFB0];
	_ =	sdelay $0x4  }
0x8c: {  	v1 =	vshrl.u32 @!p0 v0, $0xE;
	v0 =	vand.u32 @!p0 $0x3FFF, v0  }
0x8d: {  	[tilespmem:s21+$0xD00] =	vst @!p0 v1  }
0x8e: {  	[tilespmem:s21+$0xE00] =	vst @!p0 v0  }
0x8f: {  	v0 =	vld @!p0 [tilespmem:s19+$0xFFFFFFC0];
	_ =	sdelay $0x4  }
0x90: {  	v1 =	vshrl.u32 @!p0 v0, $0xE;
	v0 =	vand.u32 @!p0 $0x3FFF, v0  }
0x91: {  	[tilespmem:s21+$0xD10] =	vst @!p0 v1  }
0x92: {  	[tilespmem:s21+$0xE10] =	vst @!p0 v0  }
0x93: {  	v0 =	vld @!p0 [tilespmem:s19+$0xFFFFFFD0];
	_ =	sdelay $0x4  }
0x94: {  	v1 =	vshrl.u32 @!p0 v0, $0xE;
	v0 =	vand.u32 @!p0 $0x3FFF, v0  }
0x95: {  	[tilespmem:s21+$0xD20] =	vst @!p0 v1  }
0x96: {  	[tilespmem:s21+$0xE20] =	vst @!p0 v0  }
0x97: {  	v0 =	vld @!p0 [tilespmem:s19+$0xFFFFFFE0];
	_ =	sdelay $0x4  }
0x98: {  	v1 =	vshrl.u32 @!p0 v0, $0xE;
	v0 =	vand.u32 @!p0 $0x3FFF, v0  }
0x99: {  	[tilespmem:s21+$0xD30] =	vst @!p0 v1  }
0x9a: {  	[tilespmem:s21+$0xE30] =	vst @!p0 v0  }
0x9b: {  	v0 =	vld @!p0 [tilespmem:s19+$0xFFFFFFF0];
	_ =	sdelay $0x4  }
0x9c: {  	v1 =	vshrl.u32 @!p0 v0, $0xE;
	v0 =	vand.u32 @!p0 $0x3FFF, v0  }
.Ltmp4:
0x9d: {  	p2 =	por p2, p0;
	[tilespmem:s21+$0xD40] =	vst @!p0 v1;
	(pc) =	sbr.rel @p1 .LBB2_3-.Ltmp4, $3  }
0x9e: {  	s24 =	simm.s32 @!p2 $0x3;
	[tilespmem:s21+$0xE40] =	vst @!p0 v0  }
0x9f: {  	v0 =	vld @!p0 [tilespmem:s19+$0x0];
	_ =	sdelay $0x1  }
0xa0: {  	s25 =	simm.s32 @!p0 $0x80  }
.Ltmp5:
0xa1: {  	_ = 	snop;
	(pc) =	sbr.rel .LBB2_4-.Ltmp5, $1  }
0xa2: {  	_ =	sdelay $0x3  }
.LBB2_6:
0xa3: {  	_ =	sfence.sel $0x180000  }
0xa4: {  	[bflag:$0x0] =	sbarrier.arrive $0xFFFF  }
0xa5: {  	p0 =	sne.s32 s0, $0x0;
	_ =	strace $0x9000004A  }
0xa6: {  	s0 =	sadd.s32 @!p0 $0x100000, s1;
	[bflag:$0x2] =	sbarrier.arrive $0xFFFF  }
0xa7: {  	[sflag:s0] =	ssyncadd.tile.s32 @!p0 $0x1;
	_ =	shalt  }
.Lfunc_end2:
_tile_overlayer_lowered:
.L_overlay_start_2:
0xa8: {  	(tag) =	ssettag $0x2  }
0xa9: {  	s0 =	rddreg [dreg:$0x0];
	s2 =	stileid.u32  }
0xaa: {  	s1 =	rddreg [dreg:$0x1];
	p0 =	sne.s32 s2, $0x0  }
0xab: {  	s3 =	rddreg [dreg:$0x2];
	[bflag:$0x3] =	sbarrier.arrive $0xFFFF;
	s2 =	simm.s32 @!p0 $0x1C04  }
0xac: {  	[timem:s3], [sflag:s2] =	dma.local @!p0 [hbm:s0], s1  }
0xad: {  	s0 =	simm.s32 @!p0 $0x4  }
0xae: {  	_ =	swait.ge @!p0 [sflag:s0], s1  }
0xaf: {  	s1 =	ssub.s32 @!p0 $0x0, s1;
	[sflag:s0] =	ssyncset.done @!p0 $0x0  }
0xb0: {  	[sflag:s0] =	ssyncadd.s32 @!p0 s1  }
0xb1: {  	[bflag:$0x3] =	sbarrier.arrive $0xFFFF  }
0xb2: {  	_ =	shalt  }

</sc_bundles>
